<compile_context>
chip_gen: v7x
topology: tpu7x:2x2x1
jax: 0.10.2.dev20260603
libtpu: 0.0.44.dev20260713+nightly
codegen_flags: <defaults>
</compile_context>

<pallas_src>
import functools

import jax
import jax.numpy as jnp
from jax import lax
from jax.experimental import pallas as pl
from jax.experimental.pallas import tpu as pltpu
from jax.experimental.pallas import tpu_sc as plsc

_B, _T, _D, _LT, _NQ = 32, 1024, 1024, 32, 32
_BT = 512
_HI = lax.Precision.HIGHEST


def _dot_std(x, w):
    return jnp.dot(x.astype(jnp.bfloat16), w.astype(jnp.bfloat16),
                   preferred_element_type=jnp.float32)


def _txt_pool_body(txt_ref, wt_ref, bt_ref, tm_ref, out_ref):
    y = jnp.tanh(_dot_std(txt_ref[...], wt_ref[...]) + bt_ref[...]
                 ) * tm_ref[...]
    r_iota = lax.broadcasted_iota(jnp.int32, (_B, _B * _LT), 1)
    b_iota = lax.broadcasted_iota(jnp.int32, (_B, _B * _LT), 0)
    sel = (r_iota // _LT == b_iota).astype(jnp.float32)
    ssum = jnp.dot(sel, y, precision=_HI, preferred_element_type=jnp.float32)
    cnt = jnp.dot(sel, tm_ref[...], precision=_HI,
                  preferred_element_type=jnp.float32)
    out_ref[...] = ssum / jnp.maximum(cnt, 1.0)


def _logits_body(x_ref, tp_ref, wv_ref, bv_ref, w1_ref, b1_ref, wa_ref,
                 ba_ref, wb_ref, bb_ref, out_ref):
    x = x_ref[...]
    v = jax.nn.relu(_dot_std(x, wv_ref[...]) + bv_ref[...]) + tp_ref[0]
    h = _dot_std(v, w1_ref[...]) + b1_ref[...]
    g = jax.nn.relu(_dot_std(h, wa_ref[...]) + ba_ref[...])
    out_ref[...] = _dot_std(g, wb_ref[...]) + bb_ref[...]


def _topk_body(lg_ref, ctr_ref, gidx_ref):
    vals = lg_ref[...]
    iota = lax.broadcasted_iota(jnp.int32, (_B, _T), 1)
    b_off = lax.broadcasted_iota(jnp.int32, (_B, 1), 0) * _T
    for k in range(_NQ):
        m = jnp.max(vals, axis=1, keepdims=True)
        amin = jnp.min(jnp.where(vals == m, iota, _T), axis=1, keepdims=True)
        ctr = amin.astype(jnp.float32) / float(_T)
        gi = jnp.clip(jnp.round(ctr * float(_T - 1)).astype(jnp.int32),
                      0, _T - 1)
        ctr_ref[:, k:k + 1] = ctr
        gidx_ref[:, k:k + 1] = gi + b_off
        vals = jnp.where(iota == amin, -jnp.inf, vals)


def _head_body(fr_ref, tp_ref, wv_ref, bv_ref, wp_ref, bp_ref, ws_ref,
               bs_ref, ctr_ref, out_ref):
    r_iota = lax.broadcasted_iota(jnp.int32, (_B * _NQ, _B), 0)
    b_iota = lax.broadcasted_iota(jnp.int32, (_B * _NQ, _B), 1)
    selT = (r_iota // _NQ == b_iota).astype(jnp.float32)
    tp_rep = jnp.dot(selT, tp_ref[...], precision=_HI,
                     preferred_element_type=jnp.float32)
    fq = jax.nn.relu(_dot_std(fr_ref[...], wv_ref[...]) + bv_ref[...]
                     ) + tp_rep
    offs = jnp.tanh(_dot_std(fq, wp_ref[...]) + bp_ref[...]) * 0.5
    sc = _dot_std(fq, ws_ref[...]) + bs_ref[...]
    c = ctr_ref[...]
    st = jnp.clip(c - 0.05 + offs[:, 0:1], 0.0, 1.0)
    ed = jnp.clip(c + 0.05 + offs[:, 1:2], 0.0, 1.0)
    out_ref[...] = jnp.concatenate([st, ed, sc], axis=1)


def _sc_gather(table, flat_idx):
    info = plsc.get_sparse_core_info()
    nc, ns = info.num_cores, info.num_subcores
    nw = nc * ns
    n, d = flat_idx.shape[0], table.shape[1]
    b_per_w = n // nw
    mesh = plsc.VectorSubcoreMesh(core_axis_name="c", subcore_axis_name="s")

    @functools.partial(
        pl.kernel, mesh=mesh,
        out_type=jax.ShapeDtypeStruct((n, d), jnp.float32),
        scratch_types=[
            pltpu.VMEM((b_per_w,), jnp.int32),
            pltpu.VMEM((b_per_w, d), jnp.float32),
            pltpu.SemaphoreType.DMA,
        ],
    )
    def gather_k(table_hbm, idx_hbm, out_hbm, idx_v, rows_v, sem):
        wid = lax.axis_index("s") * nc + lax.axis_index("c")
        base = wid * b_per_w
        pltpu.sync_copy(idx_hbm.at[pl.ds(base, b_per_w)], idx_v)
        pltpu.async_copy(table_hbm.at[idx_v], rows_v, sem).wait()
        pltpu.sync_copy(rows_v, out_hbm.at[pl.ds(base, b_per_w)])

    return gather_k(table, flat_idx)


def kernel(vid_feat, txt_feat, W_vid, b_vid, W_txt, b_txt, W_stage1,
           b_stage1, Wa, ba, Wb, bb, W_prop, b_prop, W_score, b_score,
           txt_mask):
    B, T, D = vid_feat.shape
    LT = txt_feat.shape[1]
    NQ = _NQ

    tmf = txt_mask.astype(jnp.float32)
    txt = jnp.tanh(txt_feat @ W_txt + b_txt) * tmf[..., None]
    txt_pool = txt.sum(axis=1) / jnp.maximum(tmf.sum(axis=1)[:, None], 1.0)

    vid2 = vid_feat.reshape(B * T, D)
    nblk = (B * T) // _BT
    logits = pl.pallas_call(
        _logits_body,
        grid=(nblk,),
        in_specs=[
            pl.BlockSpec((_BT, D), lambda i: (i, 0)),
            pl.BlockSpec((1, 1, D), lambda i: (i * _BT // T, 0, 0)),
            pl.BlockSpec((D, D), lambda i: (0, 0)),
            pl.BlockSpec((1, D), lambda i: (0, 0)),
            pl.BlockSpec((D, D), lambda i: (0, 0)),
            pl.BlockSpec((1, D), lambda i: (0, 0)),
            pl.BlockSpec((D, D), lambda i: (0, 0)),
            pl.BlockSpec((1, D), lambda i: (0, 0)),
            pl.BlockSpec((D, 1), lambda i: (0, 0)),
            pl.BlockSpec((1, 1), lambda i: (0, 0)),
        ],
        out_specs=pl.BlockSpec((_BT, 1), lambda i: (i, 0)),
        out_shape=jax.ShapeDtypeStruct((B * T, 1), jnp.float32),
        compiler_params=pltpu.CompilerParams(
            dimension_semantics=("arbitrary",)),
    )(vid2, txt_pool.reshape(B, 1, D), W_vid, b_vid.reshape(1, D),
      W_stage1[:, 2 * D:], b_stage1[2 * D:].reshape(1, D), Wa[2],
      ba[2].reshape(1, D), Wb[2], bb[2].reshape(1, 1))

    ctr, gidx = pl.pallas_call(
        _topk_body,
        out_shape=[
            jax.ShapeDtypeStruct((B, NQ), jnp.float32),
            jax.ShapeDtypeStruct((B, NQ), jnp.int32),
        ],
    )(logits.reshape(B, T))

    feat_raw = _sc_gather(vid2, gidx.reshape(B * NQ))

    out = pl.pallas_call(
        _head_body,
        out_shape=jax.ShapeDtypeStruct((B * NQ, 3), jnp.float32),
    )(feat_raw, txt_pool, W_vid, b_vid.reshape(1, D), W_prop[2],
      b_prop[2].reshape(1, 2), W_score[2], b_score[2].reshape(1, 1),
      ctr.reshape(B * NQ, 1))

    return out.reshape(B, NQ, 3)

# --- scband reference (transcript-rebuilt; emitter-appended) ---
"""Pipeline reference for scband-multi-scale-temporal-detr-19069654794262 (READ-ONLY COPY).

The authoritative reference and input builder live on the scoring server;
editing this copy changes nothing except your own understanding.
"""

import jax, jax.numpy as jnp
import numpy as np

B, T, D, LT, NQ = 32, 1024, 1024, 32, 32

def setup_inputs(seed: int = 0):
    key = jax.random.key(seed)
    ks = jax.random.split(key, 14)
    s = 0.02
    return {
        "vid_feat": jax.random.normal(ks[0], (B, T, D), dtype=jnp.float32),
        "txt_feat": jax.random.normal(ks[1], (B, LT, D), dtype=jnp.float32),
        "W_vid": jax.random.normal(ks[2], (D, D), dtype=jnp.float32) * s,
        "b_vid": jnp.zeros((D,), jnp.float32),
        "W_txt": jax.random.normal(ks[3], (D, D), dtype=jnp.float32) * s,
        "b_txt": jnp.zeros((D,), jnp.float32),
        "W_stage1": jax.random.normal(ks[4], (D, 3 * D), dtype=jnp.float32) * s,
        "b_stage1": jnp.zeros((3 * D,), jnp.float32),
        "Wa": jax.random.normal(ks[5], (3, D, D), dtype=jnp.float32) * s,
        "ba": jnp.zeros((3, D), jnp.float32),
        "Wb": jax.random.normal(ks[6], (3, D, 1), dtype=jnp.float32) * s,
        "bb": jnp.zeros((3, 1), jnp.float32),
        "W_prop": jax.random.normal(ks[7], (3, D, 2), dtype=jnp.float32) * s,
        "b_prop": jnp.zeros((3, 2), jnp.float32),
        "W_score": jax.random.normal(ks[8], (3, D, 1), dtype=jnp.float32) * s,
        "b_score": jnp.zeros((3, 1), jnp.float32),
        "txt_mask": jnp.ones((B, LT), jnp.bool_),
    }

def _pool(x, s):
    b, t, d = x.shape
    return x.reshape(b, t // s, s, d).mean(axis=2)

def _forward(vid_feat, txt_feat, W_vid, b_vid, W_txt, b_txt, W_stage1, b_stage1, Wa, ba, Wb, bb, W_prop, b_prop, W_score, b_score, txt_mask):
    # backbone: project txt (masked) and vid, fuse via pooled text, build 3-level temporal pyramid
    word_mask = jnp.zeros(txt_mask.shape, dtype=jnp.bool_)
    tm = jnp.logical_and(txt_mask, jnp.logical_not(word_mask)).astype(jnp.float32)
    txt = jnp.tanh(txt_feat @ W_txt + b_txt) * tm[..., None]
    txt_pool = txt.sum(axis=1, keepdims=True) / jnp.maximum(tm.sum(axis=1)[:, None, None], 1.0)
    vid = jax.nn.relu(vid_feat @ W_vid + b_vid) + txt_pool
    vid_lvls = [_pool(vid, 4), _pool(vid, 2), vid]
    # stage_mlp1: Linear(d_model, 3*d_model), split into st/ed/md heads
    h = vid_lvls[-1] @ W_stage1 + b_stage1
    hs = jnp.split(h, 3, axis=-1)
    logits = [jax.nn.relu(hs[i] @ Wa[i] + ba[i]) @ Wb[i] + bb[i] for i in range(3)]
    stage_logits = jnp.concatenate(logits, axis=-1)  # [B, T, 3]
    num_clips = vid.shape[1]
    _, topk_idx = jax.lax.top_k(stage_logits[..., -1], NQ)
    ref_centers = jax.lax.stop_gradient(topk_idx.astype(jnp.float32) / num_clips)  # .detach()
    # head: gather per-level features at reference centers, regress proposals + scores
    proposals = []
    scores = []
    for li, v in enumerate(vid_lvls):
        Tl = v.shape[1]
        idx = jnp.clip(jnp.round(ref_centers * (Tl - 1)).astype(jnp.int32), 0, Tl - 1)
        feat_q = jnp.take_along_axis(v, idx[..., None], axis=1)  # [B, NQ, D]
        offs = jnp.tanh(feat_q @ W_prop[li] + b_prop[li]) * 0.5
        ctr = ref_centers[..., None]
        prop = jnp.clip(jnp.concatenate([ctr - 0.05 + offs[..., :1], ctr + 0.05 + offs[..., 1:]], axis=-1), 0.0, 1.0)
        sc = (feat_q @ W_score[li] + b_score[li])[..., 0]
        proposals.append(prop)
        scores.append(sc)
    # inference-mode output: last-level boxes + scores, packed [B, NQ, 3]
    return jnp.concatenate([proposals[-1], scores[-1][..., None]], axis=-1)

def reference(vid_feat, txt_feat, W_vid, b_vid, W_txt, b_txt, W_stage1, b_stage1, Wa, ba, Wb, bb, W_prop, b_prop, W_score, b_score, txt_mask):
    return _forward(vid_feat, txt_feat, W_vid, b_vid, W_txt, b_txt, W_stage1, b_stage1, Wa, ba, Wb, bb, W_prop, b_prop, W_score, b_score, txt_mask)

if __name__ == "__main__":
    import jax
    _d = setup_inputs()
    print(jax.jit(kernel)(*tuple(_d.values())))

</pallas_src>

<mosaic_0001>
#map = affine_map<(d0, d1) -> (0, 0)>
#map1 = affine_map<(d0, d1) -> (0)>
module attributes {stable_mosaic.version = 14 : i64} {
  func.func @gather_k(%arg0: i32, %arg1: i32, %arg2: memref<32768x1024xf32, #tpu.memory_space<hbm>>, %arg3: memref<1024xi32, #tpu.memory_space<hbm>>, %arg4: memref<1024x1024xf32, #tpu.memory_space<hbm>>, %arg5: memref<32xi32, #tpu.memory_space<vmem>>, %arg6: memref<32x1024xf32, #tpu.memory_space<vmem>>, %arg7: memref<!tpu.dma_semaphore, #tpu.memory_space<semaphore_mem>>) attributes {dimension_semantics = [#tpu.dimension_semantics<core_parallel>, #tpu.dimension_semantics<subcore_parallel>], iteration_bounds = array<i64: 2, 16>, scalar_prefetch = 0 : i64, scratch_operands = 3 : i64, tpu.core_type = #tpu.core_type<sc_vector_subcore>, window_params = [{transform_indices = #map}, {transform_indices = #map1}, {transform_indices = #map}]} {
    %mul3A = arith.constant 2 : i32
    %mul3A_0 = arith.muli %arg1, %mul3A : i32
    %add3A = arith.addi %mul3A_0, %arg0 : i32
    %mul3A_1 = arith.constant 32 : i32
    %mul3A_2 = arith.muli %add3A, %mul3A_1 : i32
    "tpu.region"() ({
      %run_scoped3A = tpu.sem_alloc : memref<!tpu.dma_semaphore, #tpu.memory_space<semaphore_mem>>
      %dma_start3A_7 = tpu.memref_slice %arg3[%mul3A_2] : memref<1024xi32, #tpu.memory_space<hbm>> -> memref<32xi32, #tpu.memory_space<hbm>>
      %dma_start3A_8 = tpu.memref_slice %arg3[%mul3A_2] : memref<1024xi32, #tpu.memory_space<hbm>> -> memref<32xi32, #tpu.memory_space<hbm>>
      tpu.enqueue_dma source(%dma_start3A_8 : memref<32xi32, #tpu.memory_space<hbm>>) target(%arg5 : memref<32xi32, #tpu.memory_space<vmem>>) target_semaphore(%run_scoped3A : memref<!tpu.dma_semaphore, #tpu.memory_space<semaphore_mem>>)
      %dma_wait3A_9 = tpu.memref_slice %arg3[%mul3A_2] : memref<1024xi32, #tpu.memory_space<hbm>> -> memref<32xi32, #tpu.memory_space<hbm>>
      %dma_wait3A_10 = tpu.memref_slice %arg3[%mul3A_2] : memref<1024xi32, #tpu.memory_space<hbm>> -> memref<32xi32, #tpu.memory_space<hbm>>
      tpu.wait_dma2 semaphore(%run_scoped3A : memref<!tpu.dma_semaphore, #tpu.memory_space<semaphore_mem>>) src(%dma_wait3A_10 : memref<32xi32, #tpu.memory_space<hbm>>) dst(%arg5 : memref<32xi32, #tpu.memory_space<vmem>>)
      tpu.yield
    }) : () -> ()
    %dma_start3A = arith.constant 0 : i32
    %dma_start3A_3 = arith.constant 0 : i32
    %dma_start3A_4 = tpu.memref_slice %arg2[%dma_start3A, %dma_start3A_3] : memref<32768x1024xf32, #tpu.memory_space<hbm>> -> memref<32768x1024xf32, #tpu.memory_space<hbm>>
    tpu.enqueue_indirect_dma source(%dma_start3A_4 : memref<32768x1024xf32, #tpu.memory_space<hbm>>) target(%arg6 : memref<32x1024xf32, #tpu.memory_space<vmem>>) offsets(%arg5 : memref<32xi32, #tpu.memory_space<vmem>>) semaphore(%arg7 : memref<!tpu.dma_semaphore, #tpu.memory_space<semaphore_mem>>)
    %dma_wait3A = arith.constant 0 : i32
    %dma_wait3A_5 = arith.constant 0 : i32
    %dma_wait3A_6 = tpu.memref_slice %arg2[%dma_wait3A, %dma_wait3A_5] : memref<32768x1024xf32, #tpu.memory_space<hbm>> -> memref<32768x1024xf32, #tpu.memory_space<hbm>>
    tpu.wait_indirect_dma semaphore(%arg7 : memref<!tpu.dma_semaphore, #tpu.memory_space<semaphore_mem>>) src(%dma_wait3A_6 : memref<32768x1024xf32, #tpu.memory_space<hbm>>) dst(%arg6 : memref<32x1024xf32, #tpu.memory_space<vmem>>)
    "tpu.region"() ({
      %run_scoped3A = tpu.sem_alloc : memref<!tpu.dma_semaphore, #tpu.memory_space<semaphore_mem>>
      %dma_start3A_7 = arith.constant 0 : i32
      %dma_start3A_8 = tpu.memref_slice %arg4[%mul3A_2, %dma_start3A_7] : memref<1024x1024xf32, #tpu.memory_space<hbm>> -> memref<32x1024xf32, #tpu.memory_space<hbm>>
      %dma_start3A_9 = arith.constant 0 : i32
      %dma_start3A_10 = tpu.memref_slice %arg4[%mul3A_2, %dma_start3A_9] : memref<1024x1024xf32, #tpu.memory_space<hbm>> -> memref<32x1024xf32, #tpu.memory_space<hbm>>
      tpu.enqueue_dma source(%arg6 : memref<32x1024xf32, #tpu.memory_space<vmem>>) target(%dma_start3A_10 : memref<32x1024xf32, #tpu.memory_space<hbm>>) target_semaphore(%run_scoped3A : memref<!tpu.dma_semaphore, #tpu.memory_space<semaphore_mem>>)
      %dma_wait3A_11 = arith.constant 0 : i32
      %dma_wait3A_12 = tpu.memref_slice %arg4[%mul3A_2, %dma_wait3A_11] : memref<1024x1024xf32, #tpu.memory_space<hbm>> -> memref<32x1024xf32, #tpu.memory_space<hbm>>
      %dma_wait3A_13 = arith.constant 0 : i32
      %dma_wait3A_14 = tpu.memref_slice %arg4[%mul3A_2, %dma_wait3A_13] : memref<1024x1024xf32, #tpu.memory_space<hbm>> -> memref<32x1024xf32, #tpu.memory_space<hbm>>
      tpu.wait_dma2 semaphore(%run_scoped3A : memref<!tpu.dma_semaphore, #tpu.memory_space<semaphore_mem>>) src(%arg6 : memref<32x1024xf32, #tpu.memory_space<vmem>>) dst(%dma_wait3A_14 : memref<32x1024xf32, #tpu.memory_space<hbm>>)
      tpu.yield
    }) : () -> ()
    return
  }
}

module attributes {stable_mosaic.version = 14 : i64} {
  func.func @_logits_body(%arg0: i32, %arg1: memref<512x1024xf32, #tpu.memory_space<vmem>>, %arg2: memref<1x1x1024xf32, #tpu.memory_space<vmem>>, %arg3: memref<1024x1024xf32, #tpu.memory_space<vmem>>, %arg4: memref<1x1024xf32, #tpu.memory_space<vmem>>, %arg5: memref<1024x1024xf32, #tpu.memory_space<vmem>>, %arg6: memref<1x1024xf32, #tpu.memory_space<vmem>>, %arg7: memref<1024x1024xf32, #tpu.memory_space<vmem>>, %arg8: memref<1x1024xf32, #tpu.memory_space<vmem>>, %arg9: memref<1024x1xf32, #tpu.memory_space<vmem>>, %arg10: memref<1x1xf32, #tpu.memory_space<vmem>>, %arg11: memref<512x1xf32, #tpu.memory_space<vmem>>) attributes {dimension_semantics = [#tpu.dimension_semantics<arbitrary>], iteration_bounds = array<i64: 64>, scalar_prefetch = 0 : i64, scratch_operands = 0 : i64, tpu.core_type = #tpu.core_type<tc>, window_params = [{transform_indices = @transform_0, window_bounds = array<i64: 512, 1024>}, {transform_indices = @transform_1, window_bounds = array<i64: 1, 1, 1024>}, {pipeline_mode = #tpu.pipeline_mode<synchronous>, transform_indices = @transform_2, window_bounds = array<i64: 1024, 1024>}, {pipeline_mode = #tpu.pipeline_mode<synchronous>, transform_indices = @transform_3, window_bounds = array<i64: 1, 1024>}, {pipeline_mode = #tpu.pipeline_mode<synchronous>, transform_indices = @transform_4, window_bounds = array<i64: 1024, 1024>}, {pipeline_mode = #tpu.pipeline_mode<synchronous>, transform_indices = @transform_5, window_bounds = array<i64: 1, 1024>}, {pipeline_mode = #tpu.pipeline_mode<synchronous>, transform_indices = @transform_6, window_bounds = array<i64: 1024, 1024>}, {pipeline_mode = #tpu.pipeline_mode<synchronous>, transform_indices = @transform_7, window_bounds = array<i64: 1, 1024>}, {pipeline_mode = #tpu.pipeline_mode<synchronous>, transform_indices = @transform_8, window_bounds = array<i64: 1024, 1>}, {pipeline_mode = #tpu.pipeline_mode<synchronous>, transform_indices = @transform_9, window_bounds = array<i64: 1, 1>}, {transform_indices = @transform_10, window_bounds = array<i64: 512, 1>}]} {
    %get3A = arith.constant 0 : index
    %get3A_0 = arith.constant 0 : index
    %get3A_1 = vector.load %arg1[%get3A, %get3A_0] : memref<512x1024xf32, #tpu.memory_space<vmem>>, vector<512x1024xf32>
    %get3A_2 = arith.constant 0 : index
    %get3A_3 = arith.constant 0 : index
    %get3A_4 = vector.load %arg3[%get3A_2, %get3A_3] : memref<1024x1024xf32, #tpu.memory_space<vmem>>, vector<1024x1024xf32>
    %convert_element_type3A = arith.truncf %get3A_1 : vector<512x1024xf32> to vector<512x1024xbf16>
    %convert_element_type3A_5 = arith.truncf %get3A_4 : vector<1024x1024xf32> to vector<1024x1024xbf16>
    %dot_general3A = arith.constant dense<0.000000e+00> : vector<512x1024xf32>
    %dot_general3A_6 = tpu.matmul %convert_element_type3A, %convert_element_type3A_5, %dot_general3A {dimension_numbers = #tpu.dot_dimension_numbers<[1], [0], [0], [1], [0, 0, 1, 1], [], []>, transpose_lhs_hint = false} : vector<512x1024xbf16>, vector<1024x1024xbf16>, vector<512x1024xf32> -> vector<512x1024xf32>
    %get3A_7 = arith.constant 0 : index
    %get3A_8 = arith.constant 0 : index
    %get3A_9 = vector.load %arg4[%get3A_7, %get3A_8] : memref<1x1024xf32, #tpu.memory_space<vmem>>, vector<1x1024xf32>
    %add3A = vector.broadcast %get3A_9 : vector<1x1024xf32> to vector<512x1024xf32>
    %add3A_10 = arith.addf %dot_general3A_6, %add3A : vector<512x1024xf32>
    %max3A = arith.constant 0.000000e+00 : f32
    %max3A_11 = vector.broadcast %max3A : f32 to vector<512x1024xf32>
    %max3A_12 = arith.maximumf %add3A_10, %max3A_11 : vector<512x1024xf32>
    %get3A_13 = arith.constant 0 : index
    %get3A_14 = arith.constant 0 : index
    %get3A_15 = arith.constant 0 : index
    %get3A_16 = vector.load %arg2[%get3A_13, %get3A_14, %get3A_15] : memref<1x1x1024xf32, #tpu.memory_space<vmem>>, vector<1x1x1024xf32>
    %get3A_17 = vector.shape_cast %get3A_16 : vector<1x1x1024xf32> to vector<1x1024xf32>
    %add3A_18 = vector.broadcast %get3A_17 : vector<1x1024xf32> to vector<512x1024xf32>
    %add3A_19 = arith.addf %max3A_12, %add3A_18 : vector<512x1024xf32>
    %get3A_20 = arith.constant 0 : index
    %get3A_21 = arith.constant 0 : index
    %get3A_22 = vector.load %arg5[%get3A_20, %get3A_21] : memref<1024x1024xf32, #tpu.memory_space<vmem>>, vector<1024x1024xf32>
    %convert_element_type3A_23 = arith.truncf %add3A_19 : vector<512x1024xf32> to vector<512x1024xbf16>
    %convert_element_type3A_24 = arith.truncf %get3A_22 : vector<1024x1024xf32> to vector<1024x1024xbf16>
    %dot_general3A_25 = arith.constant dense<0.000000e+00> : vector<512x1024xf32>
    %dot_general3A_26 = tpu.matmul %convert_element_type3A_23, %convert_element_type3A_24, %dot_general3A_25 {dimension_numbers = #tpu.dot_dimension_numbers<[1], [0], [0], [1], [0, 0, 1, 1], [], []>, transpose_lhs_hint = false} : vector<512x1024xbf16>, vector<1024x1024xbf16>, vector<512x1024xf32> -> vector<512x1024xf32>
    %get3A_27 = arith.constant 0 : index
    %get3A_28 = arith.constant 0 : index
    %get3A_29 = vector.load %arg6[%get3A_27, %get3A_28] : memref<1x1024xf32, #tpu.memory_space<vmem>>, vector<1x1024xf32>
    %add3A_30 = vector.broadcast %get3A_29 : vector<1x1024xf32> to vector<512x1024xf32>
    %add3A_31 = arith.addf %dot_general3A_26, %add3A_30 : vector<512x1024xf32>
    %get3A_32 = arith.constant 0 : index
    %get3A_33 = arith.constant 0 : index
    %get3A_34 = vector.load %arg7[%get3A_32, %get3A_33] : memref<1024x1024xf32, #tpu.memory_space<vmem>>, vector<1024x1024xf32>
    %convert_element_type3A_35 = arith.truncf %add3A_31 : vector<512x1024xf32> to vector<512x1024xbf16>
    %convert_element_type3A_36 = arith.truncf %get3A_34 : vector<1024x1024xf32> to vector<1024x1024xbf16>
    %dot_general3A_37 = arith.constant dense<0.000000e+00> : vector<512x1024xf32>
    %dot_general3A_38 = tpu.matmul %convert_element_type3A_35, %convert_element_type3A_36, %dot_general3A_37 {dimension_numbers = #tpu.dot_dimension_numbers<[1], [0], [0], [1], [0, 0, 1, 1], [], []>, transpose_lhs_hint = false} : vector<512x1024xbf16>, vector<1024x1024xbf16>, vector<512x1024xf32> -> vector<512x1024xf32>
    %get3A_39 = arith.constant 0 : index
    %get3A_40 = arith.constant 0 : index
    %get3A_41 = vector.load %arg8[%get3A_39, %get3A_40] : memref<1x1024xf32, #tpu.memory_space<vmem>>, vector<1x1024xf32>
    %add3A_42 = vector.broadcast %get3A_41 : vector<1x1024xf32> to vector<512x1024xf32>
    %add3A_43 = arith.addf %dot_general3A_38, %add3A_42 : vector<512x1024xf32>
    %max3A_44 = arith.constant 0.000000e+00 : f32
    %max3A_45 = vector.broadcast %max3A_44 : f32 to vector<512x1024xf32>
    %max3A_46 = arith.maximumf %add3A_43, %max3A_45 : vector<512x1024xf32>
    %get3A_47 = arith.constant 0 : index
    %get3A_48 = arith.constant 0 : index
    %get3A_49 = vector.load %arg9[%get3A_47, %get3A_48] : memref<1024x1xf32, #tpu.memory_space<vmem>>, vector<1024x1xf32>
    %convert_element_type3A_50 = arith.truncf %max3A_46 : vector<512x1024xf32> to vector<512x1024xbf16>
    %convert_element_type3A_51 = arith.truncf %get3A_49 : vector<1024x1xf32> to vector<1024x1xbf16>
    %dot_general3A_52 = arith.constant dense<0.000000e+00> : vector<512x1xf32>
    %dot_general3A_53 = tpu.matmul %convert_element_type3A_50, %convert_element_type3A_51, %dot_general3A_52 {dimension_numbers = #tpu.dot_dimension_numbers<[1], [0], [0], [1], [0, 0, 1, 1], [], []>, transpose_lhs_hint = false} : vector<512x1024xbf16>, vector<1024x1xbf16>, vector<512x1xf32> -> vector<512x1xf32>
    %get3A_54 = arith.constant 0 : index
    %get3A_55 = arith.constant 0 : index
    %get3A_56 = vector.load %arg10[%get3A_54, %get3A_55] : memref<1x1xf32, #tpu.memory_space<vmem>>, vector<1x1xf32>
    %add3A_57 = vector.broadcast %get3A_56 : vector<1x1xf32> to vector<512x1xf32>
    %add3A_58 = arith.addf %dot_general3A_53, %add3A_57 : vector<512x1xf32>
    %swap3A = arith.constant 0 : index
    %swap3A_59 = arith.constant 0 : index
    %swap3A_60 = vector.load %arg11[%swap3A, %swap3A_59] : memref<512x1xf32, #tpu.memory_space<vmem>>, vector<512x1xf32>
    tpu.vector_store %arg11[%swap3A, %swap3A_59], %add3A_58 {strides = array<i32>} : memref<512x1xf32, #tpu.memory_space<vmem>>, vector<512x1xf32>,
    return
  }
  func.func @transform_0(%arg0: i32) -> (i32, i32) {
    %c0_i32 = arith.constant 0 : i32
    %c0_i32_0 = arith.constant 0 : i32
    return %arg0, %c0_i32 : i32, i32
  }
  func.func @transform_1(%arg0: i32) -> (i32, i32, i32) {
    %mul3A = arith.constant 512 : i32
    %mul3A_0 = arith.muli %arg0, %mul3A : i32
    %jit3A = arith.constant 1024 : i32
    %div3A = arith.divsi %mul3A_0, %jit3A : i32
    %sign3A = arith.constant 0 : i32
    %sign3A_1 = arith.cmpi sgt, %mul3A_0, %sign3A : i32
    %sign3A_2 = arith.extui %sign3A_1 : i1 to i32
    %sign3A_3 = arith.constant 0 : i32
    %sign3A_4 = arith.cmpi slt, %mul3A_0, %sign3A_3 : i32
    %sign3A_5 = arith.extui %sign3A_4 : i1 to i32
    %sign3A_6 = arith.subi %sign3A_2, %sign3A_5 : i32
    %sign3A_7 = arith.constant 0 : i32
    %sign3A_8 = arith.cmpi sgt, %jit3A, %sign3A_7 : i32
    %sign3A_9 = arith.extui %sign3A_8 : i1 to i32
    %sign3A_10 = arith.constant 0 : i32
    %sign3A_11 = arith.cmpi slt, %jit3A, %sign3A_10 : i32
    %sign3A_12 = arith.extui %sign3A_11 : i1 to i32
    %sign3A_13 = arith.subi %sign3A_9, %sign3A_12 : i32
    %ne3A = arith.cmpi ne, %sign3A_6, %sign3A_13 : i32
    %rem3A = arith.remsi %mul3A_0, %jit3A : i32
    %ne3A_14 = arith.constant 0 : i32
    %ne3A_15 = arith.cmpi ne, %rem3A, %ne3A_14 : i32
    %and3A = arith.andi %ne3A, %ne3A_15 : i1
    %sub3A = arith.constant 1 : i32
    %sub3A_16 = arith.subi %div3A, %sub3A : i32
    %select_n3A = arith.select %and3A, %sub3A_16, %div3A : i32
    %c0_i32 = arith.constant 0 : i32
    %c0_i32_17 = arith.constant 0 : i32
    %c0_i32_18 = arith.constant 0 : i32
    return %select_n3A, %c0_i32, %c0_i32_17 : i32, i32, i32
  }
  func.func @transform_2(%arg0: i32) -> (i32, i32) {
    %c0_i32 = arith.constant 0 : i32
    %c0_i32_0 = arith.constant 0 : i32
    %c0_i32_1 = arith.constant 0 : i32
    return %c0_i32, %c0_i32_0 : i32, i32
  }
  func.func @transform_3(%arg0: i32) -> (i32, i32) {
    %c0_i32 = arith.constant 0 : i32
    %c0_i32_0 = arith.constant 0 : i32
    %c0_i32_1 = arith.constant 0 : i32
    return %c0_i32, %c0_i32_0 : i32, i32
  }
  func.func @transform_4(%arg0: i32) -> (i32, i32) {
    %c0_i32 = arith.constant 0 : i32
    %c0_i32_0 = arith.constant 0 : i32
    %c0_i32_1 = arith.constant 0 : i32
    return %c0_i32, %c0_i32_0 : i32, i32
  }
  func.func @transform_5(%arg0: i32) -> (i32, i32) {
    %c0_i32 = arith.constant 0 : i32
    %c0_i32_0 = arith.constant 0 : i32
    %c0_i32_1 = arith.constant 0 : i32
    return %c0_i32, %c0_i32_0 : i32, i32
  }
  func.func @transform_6(%arg0: i32) -> (i32, i32) {
    %c0_i32 = arith.constant 0 : i32
    %c0_i32_0 = arith.constant 0 : i32
    %c0_i32_1 = arith.constant 0 : i32
    return %c0_i32, %c0_i32_0 : i32, i32
  }
  func.func @transform_7(%arg0: i32) -> (i32, i32) {
    %c0_i32 = arith.constant 0 : i32
    %c0_i32_0 = arith.constant 0 : i32
    %c0_i32_1 = arith.constant 0 : i32
    return %c0_i32, %c0_i32_0 : i32, i32
  }
  func.func @transform_8(%arg0: i32) -> (i32, i32) {
    %c0_i32 = arith.constant 0 : i32
    %c0_i32_0 = arith.constant 0 : i32
    %c0_i32_1 = arith.constant 0 : i32
    return %c0_i32, %c0_i32_0 : i32, i32
  }
  func.func @transform_9(%arg0: i32) -> (i32, i32) {
    %c0_i32 = arith.constant 0 : i32
    %c0_i32_0 = arith.constant 0 : i32
    %c0_i32_1 = arith.constant 0 : i32
    return %c0_i32, %c0_i32_0 : i32, i32
  }
  func.func @transform_10(%arg0: i32) -> (i32, i32) {
    %c0_i32 = arith.constant 0 : i32
    %c0_i32_0 = arith.constant 0 : i32
    return %arg0, %c0_i32 : i32, i32
  }
}

module attributes {stable_mosaic.version = 14 : i64} {
  func.func @_topk_body(%arg0: memref<32x1024xf32, #tpu.memory_space<vmem>>, %arg1: memref<32x32xf32, #tpu.memory_space<vmem>>, %arg2: memref<32x32xi32, #tpu.memory_space<vmem>>) attributes {dimension_semantics = [], scalar_prefetch = 0 : i64, scratch_operands = 0 : i64, tpu.core_type = #tpu.core_type<tc>} {
    %get3A = arith.constant 0 : index
    %get3A_0 = arith.constant 0 : index
    %get3A_1 = vector.load %arg0[%get3A, %get3A_0] : memref<32x1024xf32, #tpu.memory_space<vmem>>, vector<32x1024xf32>
    %iota3A = tpu.iota {dimensions = array<i32: 1>} : vector<32x1024xi32>
    %iota3A_2 = tpu.iota {dimensions = array<i32: 0>} : vector<32x1xi32>
    %mul3A = arith.constant 1024 : i32
    %mul3A_3 = vector.broadcast %mul3A : i32 to vector<32x1xi32>
    %mul3A_4 = arith.muli %iota3A_2, %mul3A_3 : vector<32x1xi32>
    %reduce_max3A = arith.constant dense<0xFF800000> : vector<32xf32>
    %reduce_max3A_5 = vector.multi_reduction <maximumf>, %get3A_1, %reduce_max3A [1] : vector<32x1024xf32> to vector<32xf32>
    %broadcast_in_dim3A = vector.shape_cast %reduce_max3A_5 : vector<32xf32> to vector<32x1xf32>
    %eq3A = vector.broadcast %broadcast_in_dim3A : vector<32x1xf32> to vector<32x1024xf32>
    %eq3A_6 = arith.cmpf oeq, %get3A_1, %eq3A : vector<32x1024xf32>
    %jit3A = arith.constant 1024 : i32
    %broadcast_in_dim3A_7 = vector.broadcast %jit3A : i32 to vector<32x1024xi32>
    %select_n3A = arith.select %eq3A_6, %iota3A, %broadcast_in_dim3A_7 : vector<32x1024xi1>, vector<32x1024xi32>
    %reduce_min3A = arith.constant dense<2147483647> : vector<32xi32>
    %reduce_min3A_8 = vector.multi_reduction <minsi>, %select_n3A, %reduce_min3A [1] : vector<32x1024xi32> to vector<32xi32>
    %broadcast_in_dim3A_9 = vector.shape_cast %reduce_min3A_8 : vector<32xi32> to vector<32x1xi32>
    %convert_element_type3A = arith.sitofp %broadcast_in_dim3A_9 : vector<32x1xi32> to vector<32x1xf32>
    %div3A = arith.constant 1.024000e+03 : f32
    %div3A_10 = vector.broadcast %div3A : f32 to vector<32x1xf32>
    %div3A_11 = arith.divf %convert_element_type3A, %div3A_10 : vector<32x1xf32>
    %mul3A_12 = arith.constant 1.023000e+03 : f32
    %mul3A_13 = vector.broadcast %mul3A_12 : f32 to vector<32x1xf32>
    %mul3A_14 = arith.mulf %div3A_11, %mul3A_13 : vector<32x1xf32>
    %round3A = math.roundeven %mul3A_14 : vector<32x1xf32>
    %convert_element_type3A_15 = arith.fptosi %round3A : vector<32x1xf32> to vector<32x1xi32>
    %jit3A_16 = arith.constant 0 : i32
    %jit3A_17 = arith.constant 1023 : i32
    %max3A = vector.broadcast %jit3A_16 : i32 to vector<32x1xi32>
    %max3A_18 = arith.maxsi %max3A, %convert_element_type3A_15 : vector<32x1xi32>
    %min3A = vector.broadcast %jit3A_17 : i32 to vector<32x1xi32>
    %min3A_19 = arith.minsi %min3A, %max3A_18 : vector<32x1xi32>
    %swap3A = arith.constant 0 : index
    %swap3A_20 = arith.constant 0 : index
    %swap3A_21 = vector.load %arg1[%swap3A, %swap3A_20] : memref<32x32xf32, #tpu.memory_space<vmem>>, vector<32x1xf32>
    tpu.vector_store %arg1[%swap3A, %swap3A_20], %div3A_11 {strides = array<i32>} : memref<32x32xf32, #tpu.memory_space<vmem>>, vector<32x1xf32>,
    %add3A = arith.addi %min3A_19, %mul3A_4 : vector<32x1xi32>
    %swap3A_22 = arith.constant 0 : index
    %swap3A_23 = arith.constant 0 : index
    %swap3A_24 = vector.load %arg2[%swap3A_22, %swap3A_23] : memref<32x32xi32, #tpu.memory_space<vmem>>, vector<32x1xi32>
    tpu.vector_store %arg2[%swap3A_22, %swap3A_23], %add3A {strides = array<i32>} : memref<32x32xi32, #tpu.memory_space<vmem>>, vector<32x1xi32>,
    %eq3A_25 = vector.broadcast %broadcast_in_dim3A_9 : vector<32x1xi32> to vector<32x1024xi32>
    %eq3A_26 = arith.cmpi eq, %iota3A, %eq3A_25 : vector<32x1024xi32>
    %jit3A_27 = arith.constant 0xFF800000 : f32
    %broadcast_in_dim3A_28 = vector.broadcast %jit3A_27 : f32 to vector<32x1024xf32>
    %select_n3A_29 = arith.select %eq3A_26, %broadcast_in_dim3A_28, %get3A_1 : vector<32x1024xi1>, vector<32x1024xf32>
    %reduce_max3A_30 = arith.constant dense<0xFF800000> : vector<32xf32>
    %reduce_max3A_31 = vector.multi_reduction <maximumf>, %select_n3A_29, %reduce_max3A_30 [1] : vector<32x1024xf32> to vector<32xf32>
    %broadcast_in_dim3A_32 = vector.shape_cast %reduce_max3A_31 : vector<32xf32> to vector<32x1xf32>
    %eq3A_33 = vector.broadcast %broadcast_in_dim3A_32 : vector<32x1xf32> to vector<32x1024xf32>
    %eq3A_34 = arith.cmpf oeq, %select_n3A_29, %eq3A_33 : vector<32x1024xf32>
    %jit3A_35 = arith.constant 1024 : i32
    %broadcast_in_dim3A_36 = vector.broadcast %jit3A_35 : i32 to vector<32x1024xi32>
    %select_n3A_37 = arith.select %eq3A_34, %iota3A, %broadcast_in_dim3A_36 : vector<32x1024xi1>, vector<32x1024xi32>
    %reduce_min3A_38 = arith.constant dense<2147483647> : vector<32xi32>
    %reduce_min3A_39 = vector.multi_reduction <minsi>, %select_n3A_37, %reduce_min3A_38 [1] : vector<32x1024xi32> to vector<32xi32>
    %broadcast_in_dim3A_40 = vector.shape_cast %reduce_min3A_39 : vector<32xi32> to vector<32x1xi32>
    %convert_element_type3A_41 = arith.sitofp %broadcast_in_dim3A_40 : vector<32x1xi32> to vector<32x1xf32>
    %div3A_42 = arith.constant 1.024000e+03 : f32
    %div3A_43 = vector.broadcast %div3A_42 : f32 to vector<32x1xf32>
    %div3A_44 = arith.divf %convert_element_type3A_41, %div3A_43 : vector<32x1xf32>
    %mul3A_45 = arith.constant 1.023000e+03 : f32
    %mul3A_46 = vector.broadcast %mul3A_45 : f32 to vector<32x1xf32>
    %mul3A_47 = arith.mulf %div3A_44, %mul3A_46 : vector<32x1xf32>
    %round3A_48 = math.roundeven %mul3A_47 : vector<32x1xf32>
    %convert_element_type3A_49 = arith.fptosi %round3A_48 : vector<32x1xf32> to vector<32x1xi32>
    %jit3A_50 = arith.constant 0 : i32
    %jit3A_51 = arith.constant 1023 : i32
    %max3A_52 = vector.broadcast %jit3A_50 : i32 to vector<32x1xi32>
    %max3A_53 = arith.maxsi %max3A_52, %convert_element_type3A_49 : vector<32x1xi32>
    %min3A_54 = vector.broadcast %jit3A_51 : i32 to vector<32x1xi32>
    %min3A_55 = arith.minsi %min3A_54, %max3A_53 : vector<32x1xi32>
    %swap3A_56 = arith.constant 0 : index
    %swap3A_57 = arith.constant 1 : index
    %swap3A_58 = vector.load %arg1[%swap3A_56, %swap3A_57] : memref<32x32xf32, #tpu.memory_space<vmem>>, vector<32x1xf32>
    tpu.vector_store %arg1[%swap3A_56, %swap3A_57], %div3A_44 {strides = array<i32>} : memref<32x32xf32, #tpu.memory_space<vmem>>, vector<32x1xf32>,
    %add3A_59 = arith.addi %min3A_55, %mul3A_4 : vector<32x1xi32>
    %swap3A_60 = arith.constant 0 : index
    %swap3A_61 = arith.constant 1 : index
    %swap3A_62 = vector.load %arg2[%swap3A_60, %swap3A_61] : memref<32x32xi32, #tpu.memory_space<vmem>>, vector<32x1xi32>
    tpu.vector_store %arg2[%swap3A_60, %swap3A_61], %add3A_59 {strides = array<i32>} : memref<32x32xi32, #tpu.memory_space<vmem>>, vector<32x1xi32>,
    %eq3A_63 = vector.broadcast %broadcast_in_dim3A_40 : vector<32x1xi32> to vector<32x1024xi32>
    %eq3A_64 = arith.cmpi eq, %iota3A, %eq3A_63 : vector<32x1024xi32>
    %jit3A_65 = arith.constant 0xFF800000 : f32
    %broadcast_in_dim3A_66 = vector.broadcast %jit3A_65 : f32 to vector<32x1024xf32>
    %select_n3A_67 = arith.select %eq3A_64, %broadcast_in_dim3A_66, %select_n3A_29 : vector<32x1024xi1>, vector<32x1024xf32>
    %reduce_max3A_68 = arith.constant dense<0xFF800000> : vector<32xf32>
    %reduce_max3A_69 = vector.multi_reduction <maximumf>, %select_n3A_67, %reduce_max3A_68 [1] : vector<32x1024xf32> to vector<32xf32>
    %broadcast_in_dim3A_70 = vector.shape_cast %reduce_max3A_69 : vector<32xf32> to vector<32x1xf32>
    %eq3A_71 = vector.broadcast %broadcast_in_dim3A_70 : vector<32x1xf32> to vector<32x1024xf32>
    %eq3A_72 = arith.cmpf oeq, %select_n3A_67, %eq3A_71 : vector<32x1024xf32>
    %jit3A_73 = arith.constant 1024 : i32
    %broadcast_in_dim3A_74 = vector.broadcast %jit3A_73 : i32 to vector<32x1024xi32>
    %select_n3A_75 = arith.select %eq3A_72, %iota3A, %broadcast_in_dim3A_74 : vector<32x1024xi1>, vector<32x1024xi32>
    %reduce_min3A_76 = arith.constant dense<2147483647> : vector<32xi32>
    %reduce_min3A_77 = vector.multi_reduction <minsi>, %select_n3A_75, %reduce_min3A_76 [1] : vector<32x1024xi32> to vector<32xi32>
    %broadcast_in_dim3A_78 = vector.shape_cast %reduce_min3A_77 : vector<32xi32> to vector<32x1xi32>
    %convert_element_type3A_79 = arith.sitofp %broadcast_in_dim3A_78 : vector<32x1xi32> to vector<32x1xf32>
    %div3A_80 = arith.constant 1.024000e+03 : f32
    %div3A_81 = vector.broadcast %div3A_80 : f32 to vector<32x1xf32>
    %div3A_82 = arith.divf %convert_element_type3A_79, %div3A_81 : vector<32x1xf32>
    %mul3A_83 = arith.constant 1.023000e+03 : f32
    %mul3A_84 = vector.broadcast %mul3A_83 : f32 to vector<32x1xf32>
    %mul3A_85 = arith.mulf %div3A_82, %mul3A_84 : vector<32x1xf32>
    %round3A_86 = math.roundeven %mul3A_85 : vector<32x1xf32>
    %convert_element_type3A_87 = arith.fptosi %round3A_86 : vector<32x1xf32> to vector<32x1xi32>
    %jit3A_88 = arith.constant 0 : i32
    %jit3A_89 = arith.constant 1023 : i32
    %max3A_90 = vector.broadcast %jit3A_88 : i32 to vector<32x1xi32>
    %max3A_91 = arith.maxsi %max3A_90, %convert_element_type3A_87 : vector<32x1xi32>
    %min3A_92 = vector.broadcast %jit3A_89 : i32 to vector<32x1xi32>
    %min3A_93 = arith.minsi %min3A_92, %max3A_91 : vector<32x1xi32>
    %swap3A_94 = arith.constant 0 : index
    %swap3A_95 = arith.constant 2 : index
    %swap3A_96 = vector.load %arg1[%swap3A_94, %swap3A_95] : memref<32x32xf32, #tpu.memory_space<vmem>>, vector<32x1xf32>
    tpu.vector_store %arg1[%swap3A_94, %swap3A_95], %div3A_82 {strides = array<i32>} : memref<32x32xf32, #tpu.memory_space<vmem>>, vector<32x1xf32>,
    %add3A_97 = arith.addi %min3A_93, %mul3A_4 : vector<32x1xi32>
    %swap3A_98 = arith.constant 0 : index
    %swap3A_99 = arith.constant 2 : index
    %swap3A_100 = vector.load %arg2[%swap3A_98, %swap3A_99] : memref<32x32xi32, #tpu.memory_space<vmem>>, vector<32x1xi32>
    tpu.vector_store %arg2[%swap3A_98, %swap3A_99], %add3A_97 {strides = array<i32>} : memref<32x32xi32, #tpu.memory_space<vmem>>, vector<32x1xi32>,
    %eq3A_101 = vector.broadcast %broadcast_in_dim3A_78 : vector<32x1xi32> to vector<32x1024xi32>
    %eq3A_102 = arith.cmpi eq, %iota3A, %eq3A_101 : vector<32x1024xi32>
    %jit3A_103 = arith.constant 0xFF800000 : f32
    %broadcast_in_dim3A_104 = vector.broadcast %jit3A_103 : f32 to vector<32x1024xf32>
    %select_n3A_105 = arith.select %eq3A_102, %broadcast_in_dim3A_104, %select_n3A_67 : vector<32x1024xi1>, vector<32x1024xf32>
    %reduce_max3A_106 = arith.constant dense<0xFF800000> : vector<32xf32>
    %reduce_max3A_107 = vector.multi_reduction <maximumf>, %select_n3A_105, %reduce_max3A_106 [1] : vector<32x1024xf32> to vector<32xf32>
    %broadcast_in_dim3A_108 = vector.shape_cast %reduce_max3A_107 : vector<32xf32> to vector<32x1xf32>
    %eq3A_109 = vector.broadcast %broadcast_in_dim3A_108 : vector<32x1xf32> to vector<32x1024xf32>
    %eq3A_110 = arith.cmpf oeq, %select_n3A_105, %eq3A_109 : vector<32x1024xf32>
    %jit3A_111 = arith.constant 1024 : i32
    %broadcast_in_dim3A_112 = vector.broadcast %jit3A_111 : i32 to vector<32x1024xi32>
    %select_n3A_113 = arith.select %eq3A_110, %iota3A, %broadcast_in_dim3A_112 : vector<32x1024xi1>, vector<32x1024xi32>
    %reduce_min3A_114 = arith.constant dense<2147483647> : vector<32xi32>
    %reduce_min3A_115 = vector.multi_reduction <minsi>, %select_n3A_113, %reduce_min3A_114 [1] : vector<32x1024xi32> to vector<32xi32>
    %broadcast_in_dim3A_116 = vector.shape_cast %reduce_min3A_115 : vector<32xi32> to vector<32x1xi32>
    %convert_element_type3A_117 = arith.sitofp %broadcast_in_dim3A_116 : vector<32x1xi32> to vector<32x1xf32>
    %div3A_118 = arith.constant 1.024000e+03 : f32
    %div3A_119 = vector.broadcast %div3A_118 : f32 to vector<32x1xf32>
    %div3A_120 = arith.divf %convert_element_type3A_117, %div3A_119 : vector<32x1xf32>
    %mul3A_121 = arith.constant 1.023000e+03 : f32
    %mul3A_122 = vector.broadcast %mul3A_121 : f32 to vector<32x1xf32>
    %mul3A_123 = arith.mulf %div3A_120, %mul3A_122 : vector<32x1xf32>
    %round3A_124 = math.roundeven %mul3A_123 : vector<32x1xf32>
    %convert_element_type3A_125 = arith.fptosi %round3A_124 : vector<32x1xf32> to vector<32x1xi32>
    %jit3A_126 = arith.constant 0 : i32
    %jit3A_127 = arith.constant 1023 : i32
    %max3A_128 = vector.broadcast %jit3A_126 : i32 to vector<32x1xi32>
    %max3A_129 = arith.maxsi %max3A_128, %convert_element_type3A_125 : vector<32x1xi32>
    %min3A_130 = vector.broadcast %jit3A_127 : i32 to vector<32x1xi32>
    %min3A_131 = arith.minsi %min3A_130, %max3A_129 : vector<32x1xi32>
    %swap3A_132 = arith.constant 0 : index
    %swap3A_133 = arith.constant 3 : index
    %swap3A_134 = vector.load %arg1[%swap3A_132, %swap3A_133] : memref<32x32xf32, #tpu.memory_space<vmem>>, vector<32x1xf32>
    tpu.vector_store %arg1[%swap3A_132, %swap3A_133], %div3A_120 {strides = array<i32>} : memref<32x32xf32, #tpu.memory_space<vmem>>, vector<32x1xf32>,
    %add3A_135 = arith.addi %min3A_131, %mul3A_4 : vector<32x1xi32>
    %swap3A_136 = arith.constant 0 : index
    %swap3A_137 = arith.constant 3 : index
    %swap3A_138 = vector.load %arg2[%swap3A_136, %swap3A_137] : memref<32x32xi32, #tpu.memory_space<vmem>>, vector<32x1xi32>
    tpu.vector_store %arg2[%swap3A_136, %swap3A_137], %add3A_135 {strides = array<i32>} : memref<32x32xi32, #tpu.memory_space<vmem>>, vector<32x1xi32>,
    %eq3A_139 = vector.broadcast %broadcast_in_dim3A_116 : vector<32x1xi32> to vector<32x1024xi32>
    %eq3A_140 = arith.cmpi eq, %iota3A, %eq3A_139 : vector<32x1024xi32>
    %jit3A_141 = arith.constant 0xFF800000 : f32
    %broadcast_in_dim3A_142 = vector.broadcast %jit3A_141 : f32 to vector<32x1024xf32>
    %select_n3A_143 = arith.select %eq3A_140, %broadcast_in_dim3A_142, %select_n3A_105 : vector<32x1024xi1>, vector<32x1024xf32>
    %reduce_max3A_144 = arith.constant dense<0xFF800000> : vector<32xf32>
    %reduce_max3A_145 = vector.multi_reduction <maximumf>, %select_n3A_143, %reduce_max3A_144 [1] : vector<32x1024xf32> to vector<32xf32>
    %broadcast_in_dim3A_146 = vector.shape_cast %reduce_max3A_145 : vector<32xf32> to vector<32x1xf32>
    %eq3A_147 = vector.broadcast %broadcast_in_dim3A_146 : vector<32x1xf32> to vector<32x1024xf32>
    %eq3A_148 = arith.cmpf oeq, %select_n3A_143, %eq3A_147 : vector<32x1024xf32>
    %jit3A_149 = arith.constant 1024 : i32
    %broadcast_in_dim3A_150 = vector.broadcast %jit3A_149 : i32 to vector<32x1024xi32>
    %select_n3A_151 = arith.select %eq3A_148, %iota3A, %broadcast_in_dim3A_150 : vector<32x1024xi1>, vector<32x1024xi32>
    %reduce_min3A_152 = arith.constant dense<2147483647> : vector<32xi32>
    %reduce_min3A_153 = vector.multi_reduction <minsi>, %select_n3A_151, %reduce_min3A_152 [1] : vector<32x1024xi32> to vector<32xi32>
    %broadcast_in_dim3A_154 = vector.shape_cast %reduce_min3A_153 : vector<32xi32> to vector<32x1xi32>
    %convert_element_type3A_155 = arith.sitofp %broadcast_in_dim3A_154 : vector<32x1xi32> to vector<32x1xf32>
    %div3A_156 = arith.constant 1.024000e+03 : f32
    %div3A_157 = vector.broadcast %div3A_156 : f32 to vector<32x1xf32>
    %div3A_158 = arith.divf %convert_element_type3A_155, %div3A_157 : vector<32x1xf32>
    %mul3A_159 = arith.constant 1.023000e+03 : f32
    %mul3A_160 = vector.broadcast %mul3A_159 : f32 to vector<32x1xf32>
    %mul3A_161 = arith.mulf %div3A_158, %mul3A_160 : vector<32x1xf32>
    %round3A_162 = math.roundeven %mul3A_161 : vector<32x1xf32>
    %convert_element_type3A_163 = arith.fptosi %round3A_162 : vector<32x1xf32> to vector<32x1xi32>
    %jit3A_164 = arith.constant 0 : i32
    %jit3A_165 = arith.constant 1023 : i32
    %max3A_166 = vector.broadcast %jit3A_164 : i32 to vector<32x1xi32>
    %max3A_167 = arith.maxsi %max3A_166, %convert_element_type3A_163 : vector<32x1xi32>
    %min3A_168 = vector.broadcast %jit3A_165 : i32 to vector<32x1xi32>
    %min3A_169 = arith.minsi %min3A_168, %max3A_167 : vector<32x1xi32>
    %swap3A_170 = arith.constant 0 : index
    %swap3A_171 = arith.constant 4 : index
    %swap3A_172 = vector.load %arg1[%swap3A_170, %swap3A_171] : memref<32x32xf32, #tpu.memory_space<vmem>>, vector<32x1xf32>
    tpu.vector_store %arg1[%swap3A_170, %swap3A_171], %div3A_158 {strides = array<i32>} : memref<32x32xf32, #tpu.memory_space<vmem>>, vector<32x1xf32>,
    %add3A_173 = arith.addi %min3A_169, %mul3A_4 : vector<32x1xi32>
    %swap3A_174 = arith.constant 0 : index
    %swap3A_175 = arith.constant 4 : index
    %swap3A_176 = vector.load %arg2[%swap3A_174, %swap3A_175] : memref<32x32xi32, #tpu.memory_space<vmem>>, vector<32x1xi32>
    tpu.vector_store %arg2[%swap3A_174, %swap3A_175], %add3A_173 {strides = array<i32>} : memref<32x32xi32, #tpu.memory_space<vmem>>, vector<32x1xi32>,
    %eq3A_177 = vector.broadcast %broadcast_in_dim3A_154 : vector<32x1xi32> to vector<32x1024xi32>
    %eq3A_178 = arith.cmpi eq, %iota3A, %eq3A_177 : vector<32x1024xi32>
    %jit3A_179 = arith.constant 0xFF800000 : f32
    %broadcast_in_dim3A_180 = vector.broadcast %jit3A_179 : f32 to vector<32x1024xf32>
    %select_n3A_181 = arith.select %eq3A_178, %broadcast_in_dim3A_180, %select_n3A_143 : vector<32x1024xi1>, vector<32x1024xf32>
    %reduce_max3A_182 = arith.constant dense<0xFF800000> : vector<32xf32>
    %reduce_max3A_183 = vector.multi_reduction <maximumf>, %select_n3A_181, %reduce_max3A_182 [1] : vector<32x1024xf32> to vector<32xf32>
    %broadcast_in_dim3A_184 = vector.shape_cast %reduce_max3A_183 : vector<32xf32> to vector<32x1xf32>
    %eq3A_185 = vector.broadcast %broadcast_in_dim3A_184 : vector<32x1xf32> to vector<32x1024xf32>
    %eq3A_186 = arith.cmpf oeq, %select_n3A_181, %eq3A_185 : vector<32x1024xf32>
    %jit3A_187 = arith.constant 1024 : i32
    %broadcast_in_dim3A_188 = vector.broadcast %jit3A_187 : i32 to vector<32x1024xi32>
    %select_n3A_189 = arith.select %eq3A_186, %iota3A, %broadcast_in_dim3A_188 : vector<32x1024xi1>, vector<32x1024xi32>
    %reduce_min3A_190 = arith.constant dense<2147483647> : vector<32xi32>
    %reduce_min3A_191 = vector.multi_reduction <minsi>, %select_n3A_189, %reduce_min3A_190 [1] : vector<32x1024xi32> to vector<32xi32>
    %broadcast_in_dim3A_192 = vector.shape_cast %reduce_min3A_191 : vector<32xi32> to vector<32x1xi32>
    %convert_element_type3A_193 = arith.sitofp %broadcast_in_dim3A_192 : vector<32x1xi32> to vector<32x1xf32>
    %div3A_194 = arith.constant 1.024000e+03 : f32
    %div3A_195 = vector.broadcast %div3A_194 : f32 to vector<32x1xf32>
    %div3A_196 = arith.divf %convert_element_type3A_193, %div3A_195 : vector<32x1xf32>
    %mul3A_197 = arith.constant 1.023000e+03 : f32
    %mul3A_198 = vector.broadcast %mul3A_197 : f32 to vector<32x1xf32>
    %mul3A_199 = arith.mulf %div3A_196, %mul3A_198 : vector<32x1xf32>
    %round3A_200 = math.roundeven %mul3A_199 : vector<32x1xf32>
    %convert_element_type3A_201 = arith.fptosi %round3A_200 : vector<32x1xf32> to vector<32x1xi32>
    %jit3A_202 = arith.constant 0 : i32
    %jit3A_203 = arith.constant 1023 : i32
    %max3A_204 = vector.broadcast %jit3A_202 : i32 to vector<32x1xi32>
    %max3A_205 = arith.maxsi %max3A_204, %convert_element_type3A_201 : vector<32x1xi32>
    %min3A_206 = vector.broadcast %jit3A_203 : i32 to vector<32x1xi32>
    %min3A_207 = arith.minsi %min3A_206, %max3A_205 : vector<32x1xi32>
    %swap3A_208 = arith.constant 0 : index
    %swap3A_209 = arith.constant 5 : index
    %swap3A_210 = vector.load %arg1[%swap3A_208, %swap3A_209] : memref<32x32xf32, #tpu.memory_space<vmem>>, vector<32x1xf32>
    tpu.vector_store %arg1[%swap3A_208, %swap3A_209], %div3A_196 {strides = array<i32>} : memref<32x32xf32, #tpu.memory_space<vmem>>, vector<32x1xf32>,
    %add3A_211 = arith.addi %min3A_207, %mul3A_4 : vector<32x1xi32>
    %swap3A_212 = arith.constant 0 : index
    %swap3A_213 = arith.constant 5 : index
    %swap3A_214 = vector.load %arg2[%swap3A_212, %swap3A_213] : memref<32x32xi32, #tpu.memory_space<vmem>>, vector<32x1xi32>
    tpu.vector_store %arg2[%swap3A_212, %swap3A_213], %add3A_211 {strides = array<i32>} : memref<32x32xi32, #tpu.memory_space<vmem>>, vector<32x1xi32>,
    %eq3A_215 = vector.broadcast %broadcast_in_dim3A_192 : vector<32x1xi32> to vector<32x1024xi32>
    %eq3A_216 = arith.cmpi eq, %iota3A, %eq3A_215 : vector<32x1024xi32>
    %jit3A_217 = arith.constant 0xFF800000 : f32
    %broadcast_in_dim3A_218 = vector.broadcast %jit3A_217 : f32 to vector<32x1024xf32>
    %select_n3A_219 = arith.select %eq3A_216, %broadcast_in_dim3A_218, %select_n3A_181 : vector<32x1024xi1>, vector<32x1024xf32>
    %reduce_max3A_220 = arith.constant dense<0xFF800000> : vector<32xf32>
    %reduce_max3A_221 = vector.multi_reduction <maximumf>, %select_n3A_219, %reduce_max3A_220 [1] : vector<32x1024xf32> to vector<32xf32>
    %broadcast_in_dim3A_222 = vector.shape_cast %reduce_max3A_221 : vector<32xf32> to vector<32x1xf32>
    %eq3A_223 = vector.broadcast %broadcast_in_dim3A_222 : vector<32x1xf32> to vector<32x1024xf32>
    %eq3A_224 = arith.cmpf oeq, %select_n3A_219, %eq3A_223 : vector<32x1024xf32>
    %jit3A_225 = arith.constant 1024 : i32
    %broadcast_in_dim3A_226 = vector.broadcast %jit3A_225 : i32 to vector<32x1024xi32>
    %select_n3A_227 = arith.select %eq3A_224, %iota3A, %broadcast_in_dim3A_226 : vector<32x1024xi1>, vector<32x1024xi32>
    %reduce_min3A_228 = arith.constant dense<2147483647> : vector<32xi32>
    %reduce_min3A_229 = vector.multi_reduction <minsi>, %select_n3A_227, %reduce_min3A_228 [1] : vector<32x1024xi32> to vector<32xi32>
    %broadcast_in_dim3A_230 = vector.shape_cast %reduce_min3A_229 : vector<32xi32> to vector<32x1xi32>
    %convert_element_type3A_231 = arith.sitofp %broadcast_in_dim3A_230 : vector<32x1xi32> to vector<32x1xf32>
    %div3A_232 = arith.constant 1.024000e+03 : f32
    %div3A_233 = vector.broadcast %div3A_232 : f32 to vector<32x1xf32>
    %div3A_234 = arith.divf %convert_element_type3A_231, %div3A_233 : vector<32x1xf32>
    %mul3A_235 = arith.constant 1.023000e+03 : f32
    %mul3A_236 = vector.broadcast %mul3A_235 : f32 to vector<32x1xf32>
    %mul3A_237 = arith.mulf %div3A_234, %mul3A_236 : vector<32x1xf32>
    %round3A_238 = math.roundeven %mul3A_237 : vector<32x1xf32>
    %convert_element_type3A_239 = arith.fptosi %round3A_238 : vector<32x1xf32> to vector<32x1xi32>
    %jit3A_240 = arith.constant 0 : i32
    %jit3A_241 = arith.constant 1023 : i32
    %max3A_242 = vector.broadcast %jit3A_240 : i32 to vector<32x1xi32>
    %max3A_243 = arith.maxsi %max3A_242, %convert_element_type3A_239 : vector<32x1xi32>
    %min3A_244 = vector.broadcast %jit3A_241 : i32 to vector<32x1xi32>
    %min3A_245 = arith.minsi %min3A_244, %max3A_243 : vector<32x1xi32>
    %swap3A_246 = arith.constant 0 : index
    %swap3A_247 = arith.constant 6 : index
    %swap3A_248 = vector.load %arg1[%swap3A_246, %swap3A_247] : memref<32x32xf32, #tpu.memory_space<vmem>>, vector<32x1xf32>
    tpu.vector_store %arg1[%swap3A_246, %swap3A_247], %div3A_234 {strides = array<i32>} : memref<32x32xf32, #tpu.memory_space<vmem>>, vector<32x1xf32>,
    %add3A_249 = arith.addi %min3A_245, %mul3A_4 : vector<32x1xi32>
    %swap3A_250 = arith.constant 0 : index
    %swap3A_251 = arith.constant 6 : index
    %swap3A_252 = vector.load %arg2[%swap3A_250, %swap3A_251] : memref<32x32xi32, #tpu.memory_space<vmem>>, vector<32x1xi32>
    tpu.vector_store %arg2[%swap3A_250, %swap3A_251], %add3A_249 {strides = array<i32>} : memref<32x32xi32, #tpu.memory_space<vmem>>, vector<32x1xi32>,
    %eq3A_253 = vector.broadcast %broadcast_in_dim3A_230 : vector<32x1xi32> to vector<32x1024xi32>
    %eq3A_254 = arith.cmpi eq, %iota3A, %eq3A_253 : vector<32x1024xi32>
    %jit3A_255 = arith.constant 0xFF800000 : f32
    %broadcast_in_dim3A_256 = vector.broadcast %jit3A_255 : f32 to vector<32x1024xf32>
    %select_n3A_257 = arith.select %eq3A_254, %broadcast_in_dim3A_256, %select_n3A_219 : vector<32x1024xi1>, vector<32x1024xf32>
    %reduce_max3A_258 = arith.constant dense<0xFF800000> : vector<32xf32>
    %reduce_max3A_259 = vector.multi_reduction <maximumf>, %select_n3A_257, %reduce_max3A_258 [1] : vector<32x1024xf32> to vector<32xf32>
    %broadcast_in_dim3A_260 = vector.shape_cast %reduce_max3A_259 : vector<32xf32> to vector<32x1xf32>
    %eq3A_261 = vector.broadcast %broadcast_in_dim3A_260 : vector<32x1xf32> to vector<32x1024xf32>
    %eq3A_262 = arith.cmpf oeq, %select_n3A_257, %eq3A_261 : vector<32x1024xf32>
    %jit3A_263 = arith.constant 1024 : i32
    %broadcast_in_dim3A_264 = vector.broadcast %jit3A_263 : i32 to vector<32x1024xi32>
    %select_n3A_265 = arith.select %eq3A_262, %iota3A, %broadcast_in_dim3A_264 : vector<32x1024xi1>, vector<32x1024xi32>
    %reduce_min3A_266 = arith.constant dense<2147483647> : vector<32xi32>
    %reduce_min3A_267 = vector.multi_reduction <minsi>, %select_n3A_265, %reduce_min3A_266 [1] : vector<32x1024xi32> to vector<32xi32>
    %broadcast_in_dim3A_268 = vector.shape_cast %reduce_min3A_267 : vector<32xi32> to vector<32x1xi32>
    %convert_element_type3A_269 = arith.sitofp %broadcast_in_dim3A_268 : vector<32x1xi32> to vector<32x1xf32>
    %div3A_270 = arith.constant 1.024000e+03 : f32
    %div3A_271 = vector.broadcast %div3A_270 : f32 to vector<32x1xf32>
    %div3A_272 = arith.divf %convert_element_type3A_269, %div3A_271 : vector<32x1xf32>
    %mul3A_273 = arith.constant 1.023000e+03 : f32
    %mul3A_274 = vector.broadcast %mul3A_273 : f32 to vector<32x1xf32>
    %mul3A_275 = arith.mulf %div3A_272, %mul3A_274 : vector<32x1xf32>
    %round3A_276 = math.roundeven %mul3A_275 : vector<32x1xf32>
    %convert_element_type3A_277 = arith.fptosi %round3A_276 : vector<32x1xf32> to vector<32x1xi32>
    %jit3A_278 = arith.constant 0 : i32
    %jit3A_279 = arith.constant 1023 : i32
    %max3A_280 = vector.broadcast %jit3A_278 : i32 to vector<32x1xi32>
    %max3A_281 = arith.maxsi %max3A_280, %convert_element_type3A_277 : vector<32x1xi32>
    %min3A_282 = vector.broadcast %jit3A_279 : i32 to vector<32x1xi32>
    %min3A_283 = arith.minsi %min3A_282, %max3A_281 : vector<32x1xi32>
    %swap3A_284 = arith.constant 0 : index
    %swap3A_285 = arith.constant 7 : index
    %swap3A_286 = vector.load %arg1[%swap3A_284, %swap3A_285] : memref<32x32xf32, #tpu.memory_space<vmem>>, vector<32x1xf32>
    tpu.vector_store %arg1[%swap3A_284, %swap3A_285], %div3A_272 {strides = array<i32>} : memref<32x32xf32, #tpu.memory_space<vmem>>, vector<32x1xf32>,
    %add3A_287 = arith.addi %min3A_283, %mul3A_4 : vector<32x1xi32>
    %swap3A_288 = arith.constant 0 : index
    %swap3A_289 = arith.constant 7 : index
    %swap3A_290 = vector.load %arg2[%swap3A_288, %swap3A_289] : memref<32x32xi32, #tpu.memory_space<vmem>>, vector<32x1xi32>
    tpu.vector_store %arg2[%swap3A_288, %swap3A_289], %add3A_287 {strides = array<i32>} : memref<32x32xi32, #tpu.memory_space<vmem>>, vector<32x1xi32>,
    %eq3A_291 = vector.broadcast %broadcast_in_dim3A_268 : vector<32x1xi32> to vector<32x1024xi32>
    %eq3A_292 = arith.cmpi eq, %iota3A, %eq3A_291 : vector<32x1024xi32>
    %jit3A_293 = arith.constant 0xFF800000 : f32
    %broadcast_in_dim3A_294 = vector.broadcast %jit3A_293 : f32 to vector<32x1024xf32>
    %select_n3A_295 = arith.select %eq3A_292, %broadcast_in_dim3A_294, %select_n3A_257 : vector<32x1024xi1>, vector<32x1024xf32>
    %reduce_max3A_296 = arith.constant dense<0xFF800000> : vector<32xf32>
    %reduce_max3A_297 = vector.multi_reduction <maximumf>, %select_n3A_295, %reduce_max3A_296 [1] : vector<32x1024xf32> to vector<32xf32>
    %broadcast_in_dim3A_298 = vector.shape_cast %reduce_max3A_297 : vector<32xf32> to vector<32x1xf32>
    %eq3A_299 = vector.broadcast %broadcast_in_dim3A_298 : vector<32x1xf32> to vector<32x1024xf32>
    %eq3A_300 = arith.cmpf oeq, %select_n3A_295, %eq3A_299 : vector<32x1024xf32>
    %jit3A_301 = arith.constant 1024 : i32
    %broadcast_in_dim3A_302 = vector.broadcast %jit3A_301 : i32 to vector<32x1024xi32>
    %select_n3A_303 = arith.select %eq3A_300, %iota3A, %broadcast_in_dim3A_302 : vector<32x1024xi1>, vector<32x1024xi32>
    %reduce_min3A_304 = arith.constant dense<2147483647> : vector<32xi32>
    %reduce_min3A_305 = vector.multi_reduction <minsi>, %select_n3A_303, %reduce_min3A_304 [1] : vector<32x1024xi32> to vector<32xi32>
    %broadcast_in_dim3A_306 = vector.shape_cast %reduce_min3A_305 : vector<32xi32> to vector<32x1xi32>
    %convert_element_type3A_307 = arith.sitofp %broadcast_in_dim3A_306 : vector<32x1xi32> to vector<32x1xf32>
    %div3A_308 = arith.constant 1.024000e+03 : f32
    %div3A_309 = vector.broadcast %div3A_308 : f32 to vector<32x1xf32>
    %div3A_310 = arith.divf %convert_element_type3A_307, %div3A_309 : vector<32x1xf32>
    %mul3A_311 = arith.constant 1.023000e+03 : f32
    %mul3A_312 = vector.broadcast %mul3A_311 : f32 to vector<32x1xf32>
    %mul3A_313 = arith.mulf %div3A_310, %mul3A_312 : vector<32x1xf32>
    %round3A_314 = math.roundeven %mul3A_313 : vector<32x1xf32>
    %convert_element_type3A_315 = arith.fptosi %round3A_314 : vector<32x1xf32> to vector<32x1xi32>
    %jit3A_316 = arith.constant 0 : i32
    %jit3A_317 = arith.constant 1023 : i32
    %max3A_318 = vector.broadcast %jit3A_316 : i32 to vector<32x1xi32>
    %max3A_319 = arith.maxsi %max3A_318, %convert_element_type3A_315 : vector<32x1xi32>
    %min3A_320 = vector.broadcast %jit3A_317 : i32 to vector<32x1xi32>
    %min3A_321 = arith.minsi %min3A_320, %max3A_319 : vector<32x1xi32>
    %swap3A_322 = arith.constant 0 : index
    %swap3A_323 = arith.constant 8 : index
    %swap3A_324 = vector.load %arg1[%swap3A_322, %swap3A_323] : memref<32x32xf32, #tpu.memory_space<vmem>>, vector<32x1xf32>
    tpu.vector_store %arg1[%swap3A_322, %swap3A_323], %div3A_310 {strides = array<i32>} : memref<32x32xf32, #tpu.memory_space<vmem>>, vector<32x1xf32>,
    %add3A_325 = arith.addi %min3A_321, %mul3A_4 : vector<32x1xi32>
    %swap3A_326 = arith.constant 0 : index
    %swap3A_327 = arith.constant 8 : index
    %swap3A_328 = vector.load %arg2[%swap3A_326, %swap3A_327] : memref<32x32xi32, #tpu.memory_space<vmem>>, vector<32x1xi32>
    tpu.vector_store %arg2[%swap3A_326, %swap3A_327], %add3A_325 {strides = array<i32>} : memref<32x32xi32, #tpu.memory_space<vmem>>, vector<32x1xi32>,
    %eq3A_329 = vector.broadcast %broadcast_in_dim3A_306 : vector<32x1xi32> to vector<32x1024xi32>
    %eq3A_330 = arith.cmpi eq, %iota3A, %eq3A_329 : vector<32x1024xi32>
    %jit3A_331 = arith.constant 0xFF800000 : f32
    %broadcast_in_dim3A_332 = vector.broadcast %jit3A_331 : f32 to vector<32x1024xf32>
    %select_n3A_333 = arith.select %eq3A_330, %broadcast_in_dim3A_332, %select_n3A_295 : vector<32x1024xi1>, vector<32x1024xf32>
    %reduce_max3A_334 = arith.constant dense<0xFF800000> : vector<32xf32>
    %reduce_max3A_335 = vector.multi_reduction <maximumf>, %select_n3A_333, %reduce_max3A_334 [1] : vector<32x1024xf32> to vector<32xf32>
    %broadcast_in_dim3A_336 = vector.shape_cast %reduce_max3A_335 : vector<32xf32> to vector<32x1xf32>
    %eq3A_337 = vector.broadcast %broadcast_in_dim3A_336 : vector<32x1xf32> to vector<32x1024xf32>
    %eq3A_338 = arith.cmpf oeq, %select_n3A_333, %eq3A_337 : vector<32x1024xf32>
    %jit3A_339 = arith.constant 1024 : i32
    %broadcast_in_dim3A_340 = vector.broadcast %jit3A_339 : i32 to vector<32x1024xi32>
    %select_n3A_341 = arith.select %eq3A_338, %iota3A, %broadcast_in_dim3A_340 : vector<32x1024xi1>, vector<32x1024xi32>
    %reduce_min3A_342 = arith.constant dense<2147483647> : vector<32xi32>
    %reduce_min3A_343 = vector.multi_reduction <minsi>, %select_n3A_341, %reduce_min3A_342 [1] : vector<32x1024xi32> to vector<32xi32>
    %broadcast_in_dim3A_344 = vector.shape_cast %reduce_min3A_343 : vector<32xi32> to vector<32x1xi32>
    %convert_element_type3A_345 = arith.sitofp %broadcast_in_dim3A_344 : vector<32x1xi32> to vector<32x1xf32>
    %div3A_346 = arith.constant 1.024000e+03 : f32
    %div3A_347 = vector.broadcast %div3A_346 : f32 to vector<32x1xf32>
    %div3A_348 = arith.divf %convert_element_type3A_345, %div3A_347 : vector<32x1xf32>
    %mul3A_349 = arith.constant 1.023000e+03 : f32
    %mul3A_350 = vector.broadcast %mul3A_349 : f32 to vector<32x1xf32>
    %mul3A_351 = arith.mulf %div3A_348, %mul3A_350 : vector<32x1xf32>
    %round3A_352 = math.roundeven %mul3A_351 : vector<32x1xf32>
    %convert_element_type3A_353 = arith.fptosi %round3A_352 : vector<32x1xf32> to vector<32x1xi32>
    %jit3A_354 = arith.constant 0 : i32
    %jit3A_355 = arith.constant 1023 : i32
    %max3A_356 = vector.broadcast %jit3A_354 : i32 to vector<32x1xi32>
    %max3A_357 = arith.maxsi %max3A_356, %convert_element_type3A_353 : vector<32x1xi32>
    %min3A_358 = vector.broadcast %jit3A_355 : i32 to vector<32x1xi32>
    %min3A_359 = arith.minsi %min3A_358, %max3A_357 : vector<32x1xi32>
    %swap3A_360 = arith.constant 0 : index
    %swap3A_361 = arith.constant 9 : index
    %swap3A_362 = vector.load %arg1[%swap3A_360, %swap3A_361] : memref<32x32xf32, #tpu.memory_space<vmem>>, vector<32x1xf32>
    tpu.vector_store %arg1[%swap3A_360, %swap3A_361], %div3A_348 {strides = array<i32>} : memref<32x32xf32, #tpu.memory_space<vmem>>, vector<32x1xf32>,
    %add3A_363 = arith.addi %min3A_359, %mul3A_4 : vector<32x1xi32>
    %swap3A_364 = arith.constant 0 : index
    %swap3A_365 = arith.constant 9 : index
    %swap3A_366 = vector.load %arg2[%swap3A_364, %swap3A_365] : memref<32x32xi32, #tpu.memory_space<vmem>>, vector<32x1xi32>
    tpu.vector_store %arg2[%swap3A_364, %swap3A_365], %add3A_363 {strides = array<i32>} : memref<32x32xi32, #tpu.memory_space<vmem>>, vector<32x1xi32>,
    %eq3A_367 = vector.broadcast %broadcast_in_dim3A_344 : vector<32x1xi32> to vector<32x1024xi32>
    %eq3A_368 = arith.cmpi eq, %iota3A, %eq3A_367 : vector<32x1024xi32>
    %jit3A_369 = arith.constant 0xFF800000 : f32
    %broadcast_in_dim3A_370 = vector.broadcast %jit3A_369 : f32 to vector<32x1024xf32>
    %select_n3A_371 = arith.select %eq3A_368, %broadcast_in_dim3A_370, %select_n3A_333 : vector<32x1024xi1>, vector<32x1024xf32>
    %reduce_max3A_372 = arith.constant dense<0xFF800000> : vector<32xf32>
    %reduce_max3A_373 = vector.multi_reduction <maximumf>, %select_n3A_371, %reduce_max3A_372 [1] : vector<32x1024xf32> to vector<32xf32>
    %broadcast_in_dim3A_374 = vector.shape_cast %reduce_max3A_373 : vector<32xf32> to vector<32x1xf32>
    %eq3A_375 = vector.broadcast %broadcast_in_dim3A_374 : vector<32x1xf32> to vector<32x1024xf32>
    %eq3A_376 = arith.cmpf oeq, %select_n3A_371, %eq3A_375 : vector<32x1024xf32>
    %jit3A_377 = arith.constant 1024 : i32
    %broadcast_in_dim3A_378 = vector.broadcast %jit3A_377 : i32 to vector<32x1024xi32>
    %select_n3A_379 = arith.select %eq3A_376, %iota3A, %broadcast_in_dim3A_378 : vector<32x1024xi1>, vector<32x1024xi32>
    %reduce_min3A_380 = arith.constant dense<2147483647> : vector<32xi32>
    %reduce_min3A_381 = vector.multi_reduction <minsi>, %select_n3A_379, %reduce_min3A_380 [1] : vector<32x1024xi32> to vector<32xi32>
    %broadcast_in_dim3A_382 = vector.shape_cast %reduce_min3A_381 : vector<32xi32> to vector<32x1xi32>
    %convert_element_type3A_383 = arith.sitofp %broadcast_in_dim3A_382 : vector<32x1xi32> to vector<32x1xf32>
    %div3A_384 = arith.constant 1.024000e+03 : f32
    %div3A_385 = vector.broadcast %div3A_384 : f32 to vector<32x1xf32>
    %div3A_386 = arith.divf %convert_element_type3A_383, %div3A_385 : vector<32x1xf32>
    %mul3A_387 = arith.constant 1.023000e+03 : f32
    %mul3A_388 = vector.broadcast %mul3A_387 : f32 to vector<32x1xf32>
    %mul3A_389 = arith.mulf %div3A_386, %mul3A_388 : vector<32x1xf32>
    %round3A_390 = math.roundeven %mul3A_389 : vector<32x1xf32>
    %convert_element_type3A_391 = arith.fptosi %round3A_390 : vector<32x1xf32> to vector<32x1xi32>
    %jit3A_392 = arith.constant 0 : i32
    %jit3A_393 = arith.constant 1023 : i32
    %max3A_394 = vector.broadcast %jit3A_392 : i32 to vector<32x1xi32>
    %max3A_395 = arith.maxsi %max3A_394, %convert_element_type3A_391 : vector<32x1xi32>
    %min3A_396 = vector.broadcast %jit3A_393 : i32 to vector<32x1xi32>
    %min3A_397 = arith.minsi %min3A_396, %max3A_395 : vector<32x1xi32>
    %swap3A_398 = arith.constant 0 : index
    %swap3A_399 = arith.constant 10 : index
    %swap3A_400 = vector.load %arg1[%swap3A_398, %swap3A_399] : memref<32x32xf32, #tpu.memory_space<vmem>>, vector<32x1xf32>
    tpu.vector_store %arg1[%swap3A_398, %swap3A_399], %div3A_386 {strides = array<i32>} : memref<32x32xf32, #tpu.memory_space<vmem>>, vector<32x1xf32>,
    %add3A_401 = arith.addi %min3A_397, %mul3A_4 : vector<32x1xi32>
    %swap3A_402 = arith.constant 0 : index
    %swap3A_403 = arith.constant 10 : index
    %swap3A_404 = vector.load %arg2[%swap3A_402, %swap3A_403] : memref<32x32xi32, #tpu.memory_space<vmem>>, vector<32x1xi32>
    tpu.vector_store %arg2[%swap3A_402, %swap3A_403], %add3A_401 {strides = array<i32>} : memref<32x32xi32, #tpu.memory_space<vmem>>, vector<32x1xi32>,
    %eq3A_405 = vector.broadcast %broadcast_in_dim3A_382 : vector<32x1xi32> to vector<32x1024xi32>
    %eq3A_406 = arith.cmpi eq, %iota3A, %eq3A_405 : vector<32x1024xi32>
    %jit3A_407 = arith.constant 0xFF800000 : f32
    %broadcast_in_dim3A_408 = vector.broadcast %jit3A_407 : f32 to vector<32x1024xf32>
    %select_n3A_409 = arith.select %eq3A_406, %broadcast_in_dim3A_408, %select_n3A_371 : vector<32x1024xi1>, vector<32x1024xf32>
    %reduce_max3A_410 = arith.constant dense<0xFF800000> : vector<32xf32>
    %reduce_max3A_411 = vector.multi_reduction <maximumf>, %select_n3A_409, %reduce_max3A_410 [1] : vector<32x1024xf32> to vector<32xf32>
    %broadcast_in_dim3A_412 = vector.shape_cast %reduce_max3A_411 : vector<32xf32> to vector<32x1xf32>
    %eq3A_413 = vector.broadcast %broadcast_in_dim3A_412 : vector<32x1xf32> to vector<32x1024xf32>
    %eq3A_414 = arith.cmpf oeq, %select_n3A_409, %eq3A_413 : vector<32x1024xf32>
    %jit3A_415 = arith.constant 1024 : i32
    %broadcast_in_dim3A_416 = vector.broadcast %jit3A_415 : i32 to vector<32x1024xi32>
    %select_n3A_417 = arith.select %eq3A_414, %iota3A, %broadcast_in_dim3A_416 : vector<32x1024xi1>, vector<32x1024xi32>
    %reduce_min3A_418 = arith.constant dense<2147483647> : vector<32xi32>
    %reduce_min3A_419 = vector.multi_reduction <minsi>, %select_n3A_417, %reduce_min3A_418 [1] : vector<32x1024xi32> to vector<32xi32>
    %broadcast_in_dim3A_420 = vector.shape_cast %reduce_min3A_419 : vector<32xi32> to vector<32x1xi32>
    %convert_element_type3A_421 = arith.sitofp %broadcast_in_dim3A_420 : vector<32x1xi32> to vector<32x1xf32>
    %div3A_422 = arith.constant 1.024000e+03 : f32
    %div3A_423 = vector.broadcast %div3A_422 : f32 to vector<32x1xf32>
    %div3A_424 = arith.divf %convert_element_type3A_421, %div3A_423 : vector<32x1xf32>
    %mul3A_425 = arith.constant 1.023000e+03 : f32
    %mul3A_426 = vector.broadcast %mul3A_425 : f32 to vector<32x1xf32>
    %mul3A_427 = arith.mulf %div3A_424, %mul3A_426 : vector<32x1xf32>
    %round3A_428 = math.roundeven %mul3A_427 : vector<32x1xf32>
    %convert_element_type3A_429 = arith.fptosi %round3A_428 : vector<32x1xf32> to vector<32x1xi32>
    %jit3A_430 = arith.constant 0 : i32
    %jit3A_431 = arith.constant 1023 : i32
    %max3A_432 = vector.broadcast %jit3A_430 : i32 to vector<32x1xi32>
    %max3A_433 = arith.maxsi %max3A_432, %convert_element_type3A_429 : vector<32x1xi32>
    %min3A_434 = vector.broadcast %jit3A_431 : i32 to vector<32x1xi32>
    %min3A_435 = arith.minsi %min3A_434, %max3A_433 : vector<32x1xi32>
    %swap3A_436 = arith.constant 0 : index
    %swap3A_437 = arith.constant 11 : index
    %swap3A_438 = vector.load %arg1[%swap3A_436, %swap3A_437] : memref<32x32xf32, #tpu.memory_space<vmem>>, vector<32x1xf32>
    tpu.vector_store %arg1[%swap3A_436, %swap3A_437], %div3A_424 {strides = array<i32>} : memref<32x32xf32, #tpu.memory_space<vmem>>, vector<32x1xf32>,
    %add3A_439 = arith.addi %min3A_435, %mul3A_4 : vector<32x1xi32>
    %swap3A_440 = arith.constant 0 : index
    %swap3A_441 = arith.constant 11 : index
    %swap3A_442 = vector.load %arg2[%swap3A_440, %swap3A_441] : memref<32x32xi32, #tpu.memory_space<vmem>>, vector<32x1xi32>
    tpu.vector_store %arg2[%swap3A_440, %swap3A_441], %add3A_439 {strides = array<i32>} : memref<32x32xi32, #tpu.memory_space<vmem>>, vector<32x1xi32>,
    %eq3A_443 = vector.broadcast %broadcast_in_dim3A_420 : vector<32x1xi32> to vector<32x1024xi32>
    %eq3A_444 = arith.cmpi eq, %iota3A, %eq3A_443 : vector<32x1024xi32>
    %jit3A_445 = arith.constant 0xFF800000 : f32
    %broadcast_in_dim3A_446 = vector.broadcast %jit3A_445 : f32 to vector<32x1024xf32>
    %select_n3A_447 = arith.select %eq3A_444, %broadcast_in_dim3A_446, %select_n3A_409 : vector<32x1024xi1>, vector<32x1024xf32>
    %reduce_max3A_448 = arith.constant dense<0xFF800000> : vector<32xf32>
    %reduce_max3A_449 = vector.multi_reduction <maximumf>, %select_n3A_447, %reduce_max3A_448 [1] : vector<32x1024xf32> to vector<32xf32>
    %broadcast_in_dim3A_450 = vector.shape_cast %reduce_max3A_449 : vector<32xf32> to vector<32x1xf32>
    %eq3A_451 = vector.broadcast %broadcast_in_dim3A_450 : vector<32x1xf32> to vector<32x1024xf32>
    %eq3A_452 = arith.cmpf oeq, %select_n3A_447, %eq3A_451 : vector<32x1024xf32>
    %jit3A_453 = arith.constant 1024 : i32
    %broadcast_in_dim3A_454 = vector.broadcast %jit3A_453 : i32 to vector<32x1024xi32>
    %select_n3A_455 = arith.select %eq3A_452, %iota3A, %broadcast_in_dim3A_454 : vector<32x1024xi1>, vector<32x1024xi32>
    %reduce_min3A_456 = arith.constant dense<2147483647> : vector<32xi32>
    %reduce_min3A_457 = vector.multi_reduction <minsi>, %select_n3A_455, %reduce_min3A_456 [1] : vector<32x1024xi32> to vector<32xi32>
    %broadcast_in_dim3A_458 = vector.shape_cast %reduce_min3A_457 : vector<32xi32> to vector<32x1xi32>
    %convert_element_type3A_459 = arith.sitofp %broadcast_in_dim3A_458 : vector<32x1xi32> to vector<32x1xf32>
    %div3A_460 = arith.constant 1.024000e+03 : f32
    %div3A_461 = vector.broadcast %div3A_460 : f32 to vector<32x1xf32>
    %div3A_462 = arith.divf %convert_element_type3A_459, %div3A_461 : vector<32x1xf32>
    %mul3A_463 = arith.constant 1.023000e+03 : f32
    %mul3A_464 = vector.broadcast %mul3A_463 : f32 to vector<32x1xf32>
    %mul3A_465 = arith.mulf %div3A_462, %mul3A_464 : vector<32x1xf32>
    %round3A_466 = math.roundeven %mul3A_465 : vector<32x1xf32>
    %convert_element_type3A_467 = arith.fptosi %round3A_466 : vector<32x1xf32> to vector<32x1xi32>
    %jit3A_468 = arith.constant 0 : i32
    %jit3A_469 = arith.constant 1023 : i32
    %max3A_470 = vector.broadcast %jit3A_468 : i32 to vector<32x1xi32>
    %max3A_471 = arith.maxsi %max3A_470, %convert_element_type3A_467 : vector<32x1xi32>
    %min3A_472 = vector.broadcast %jit3A_469 : i32 to vector<32x1xi32>
    %min3A_473 = arith.minsi %min3A_472, %max3A_471 : vector<32x1xi32>
    %swap3A_474 = arith.constant 0 : index
    %swap3A_475 = arith.constant 12 : index
    %swap3A_476 = vector.load %arg1[%swap3A_474, %swap3A_475] : memref<32x32xf32, #tpu.memory_space<vmem>>, vector<32x1xf32>
    tpu.vector_store %arg1[%swap3A_474, %swap3A_475], %div3A_462 {strides = array<i32>} : memref<32x32xf32, #tpu.memory_space<vmem>>, vector<32x1xf32>,
    %add3A_477 = arith.addi %min3A_473, %mul3A_4 : vector<32x1xi32>
    %swap3A_478 = arith.constant 0 : index
    %swap3A_479 = arith.constant 12 : index
    %swap3A_480 = vector.load %arg2[%swap3A_478, %swap3A_479] : memref<32x32xi32, #tpu.memory_space<vmem>>, vector<32x1xi32>
    tpu.vector_store %arg2[%swap3A_478, %swap3A_479], %add3A_477 {strides = array<i32>} : memref<32x32xi32, #tpu.memory_space<vmem>>, vector<32x1xi32>,
    %eq3A_481 = vector.broadcast %broadcast_in_dim3A_458 : vector<32x1xi32> to vector<32x1024xi32>
    %eq3A_482 = arith.cmpi eq, %iota3A, %eq3A_481 : vector<32x1024xi32>
    %jit3A_483 = arith.constant 0xFF800000 : f32
    %broadcast_in_dim3A_484 = vector.broadcast %jit3A_483 : f32 to vector<32x1024xf32>
    %select_n3A_485 = arith.select %eq3A_482, %broadcast_in_dim3A_484, %select_n3A_447 : vector<32x1024xi1>, vector<32x1024xf32>
    %reduce_max3A_486 = arith.constant dense<0xFF800000> : vector<32xf32>
    %reduce_max3A_487 = vector.multi_reduction <maximumf>, %select_n3A_485, %reduce_max3A_486 [1] : vector<32x1024xf32> to vector<32xf32>
    %broadcast_in_dim3A_488 = vector.shape_cast %reduce_max3A_487 : vector<32xf32> to vector<32x1xf32>
    %eq3A_489 = vector.broadcast %broadcast_in_dim3A_488 : vector<32x1xf32> to vector<32x1024xf32>
    %eq3A_490 = arith.cmpf oeq, %select_n3A_485, %eq3A_489 : vector<32x1024xf32>
    %jit3A_491 = arith.constant 1024 : i32
    %broadcast_in_dim3A_492 = vector.broadcast %jit3A_491 : i32 to vector<32x1024xi32>
    %select_n3A_493 = arith.select %eq3A_490, %iota3A, %broadcast_in_dim3A_492 : vector<32x1024xi1>, vector<32x1024xi32>
    %reduce_min3A_494 = arith.constant dense<2147483647> : vector<32xi32>
    %reduce_min3A_495 = vector.multi_reduction <minsi>, %select_n3A_493, %reduce_min3A_494 [1] : vector<32x1024xi32> to vector<32xi32>
    %broadcast_in_dim3A_496 = vector.shape_cast %reduce_min3A_495 : vector<32xi32> to vector<32x1xi32>
    %convert_element_type3A_497 = arith.sitofp %broadcast_in_dim3A_496 : vector<32x1xi32> to vector<32x1xf32>
    %div3A_498 = arith.constant 1.024000e+03 : f32
    %div3A_499 = vector.broadcast %div3A_498 : f32 to vector<32x1xf32>
    %div3A_500 = arith.divf %convert_element_type3A_497, %div3A_499 : vector<32x1xf32>
    %mul3A_501 = arith.constant 1.023000e+03 : f32
    %mul3A_502 = vector.broadcast %mul3A_501 : f32 to vector<32x1xf32>
    %mul3A_503 = arith.mulf %div3A_500, %mul3A_502 : vector<32x1xf32>
    %round3A_504 = math.roundeven %mul3A_503 : vector<32x1xf32>
    %convert_element_type3A_505 = arith.fptosi %round3A_504 : vector<32x1xf32> to vector<32x1xi32>
    %jit3A_506 = arith.constant 0 : i32
    %jit3A_507 = arith.constant 1023 : i32
    %max3A_508 = vector.broadcast %jit3A_506 : i32 to vector<32x1xi32>
    %max3A_509 = arith.maxsi %max3A_508, %convert_element_type3A_505 : vector<32x1xi32>
    %min3A_510 = vector.broadcast %jit3A_507 : i32 to vector<32x1xi32>
    %min3A_511 = arith.minsi %min3A_510, %max3A_509 : vector<32x1xi32>
    %swap3A_512 = arith.constant 0 : index
    %swap3A_513 = arith.constant 13 : index
    %swap3A_514 = vector.load %arg1[%swap3A_512, %swap3A_513] : memref<32x32xf32, #tpu.memory_space<vmem>>, vector<32x1xf32>
    tpu.vector_store %arg1[%swap3A_512, %swap3A_513], %div3A_500 {strides = array<i32>} : memref<32x32xf32, #tpu.memory_space<vmem>>, vector<32x1xf32>,
    %add3A_515 = arith.addi %min3A_511, %mul3A_4 : vector<32x1xi32>
    %swap3A_516 = arith.constant 0 : index
    %swap3A_517 = arith.constant 13 : index
    %swap3A_518 = vector.load %arg2[%swap3A_516, %swap3A_517] : memref<32x32xi32, #tpu.memory_space<vmem>>, vector<32x1xi32>
    tpu.vector_store %arg2[%swap3A_516, %swap3A_517], %add3A_515 {strides = array<i32>} : memref<32x32xi32, #tpu.memory_space<vmem>>, vector<32x1xi32>,
    %eq3A_519 = vector.broadcast %broadcast_in_dim3A_496 : vector<32x1xi32> to vector<32x1024xi32>
    %eq3A_520 = arith.cmpi eq, %iota3A, %eq3A_519 : vector<32x1024xi32>
    %jit3A_521 = arith.constant 0xFF800000 : f32
    %broadcast_in_dim3A_522 = vector.broadcast %jit3A_521 : f32 to vector<32x1024xf32>
    %select_n3A_523 = arith.select %eq3A_520, %broadcast_in_dim3A_522, %select_n3A_485 : vector<32x1024xi1>, vector<32x1024xf32>
    %reduce_max3A_524 = arith.constant dense<0xFF800000> : vector<32xf32>
    %reduce_max3A_525 = vector.multi_reduction <maximumf>, %select_n3A_523, %reduce_max3A_524 [1] : vector<32x1024xf32> to vector<32xf32>
    %broadcast_in_dim3A_526 = vector.shape_cast %reduce_max3A_525 : vector<32xf32> to vector<32x1xf32>
    %eq3A_527 = vector.broadcast %broadcast_in_dim3A_526 : vector<32x1xf32> to vector<32x1024xf32>
    %eq3A_528 = arith.cmpf oeq, %select_n3A_523, %eq3A_527 : vector<32x1024xf32>
    %jit3A_529 = arith.constant 1024 : i32
    %broadcast_in_dim3A_530 = vector.broadcast %jit3A_529 : i32 to vector<32x1024xi32>
    %select_n3A_531 = arith.select %eq3A_528, %iota3A, %broadcast_in_dim3A_530 : vector<32x1024xi1>, vector<32x1024xi32>
    %reduce_min3A_532 = arith.constant dense<2147483647> : vector<32xi32>
    %reduce_min3A_533 = vector.multi_reduction <minsi>, %select_n3A_531, %reduce_min3A_532 [1] : vector<32x1024xi32> to vector<32xi32>
    %broadcast_in_dim3A_534 = vector.shape_cast %reduce_min3A_533 : vector<32xi32> to vector<32x1xi32>
    %convert_element_type3A_535 = arith.sitofp %broadcast_in_dim3A_534 : vector<32x1xi32> to vector<32x1xf32>
    %div3A_536 = arith.constant 1.024000e+03 : f32
    %div3A_537 = vector.broadcast %div3A_536 : f32 to vector<32x1xf32>
    %div3A_538 = arith.divf %convert_element_type3A_535, %div3A_537 : vector<32x1xf32>
    %mul3A_539 = arith.constant 1.023000e+03 : f32
    %mul3A_540 = vector.broadcast %mul3A_539 : f32 to vector<32x1xf32>
    %mul3A_541 = arith.mulf %div3A_538, %mul3A_540 : vector<32x1xf32>
    %round3A_542 = math.roundeven %mul3A_541 : vector<32x1xf32>
    %convert_element_type3A_543 = arith.fptosi %round3A_542 : vector<32x1xf32> to vector<32x1xi32>
    %jit3A_544 = arith.constant 0 : i32
    %jit3A_545 = arith.constant 1023 : i32
    %max3A_546 = vector.broadcast %jit3A_544 : i32 to vector<32x1xi32>
    %max3A_547 = arith.maxsi %max3A_546, %convert_element_type3A_543 : vector<32x1xi32>
    %min3A_548 = vector.broadcast %jit3A_545 : i32 to vector<32x1xi32>
    %min3A_549 = arith.minsi %min3A_548, %max3A_547 : vector<32x1xi32>
    %swap3A_550 = arith.constant 0 : index
    %swap3A_551 = arith.constant 14 : index
    %swap3A_552 = vector.load %arg1[%swap3A_550, %swap3A_551] : memref<32x32xf32, #tpu.memory_space<vmem>>, vector<32x1xf32>
    tpu.vector_store %arg1[%swap3A_550, %swap3A_551], %div3A_538 {strides = array<i32>} : memref<32x32xf32, #tpu.memory_space<vmem>>, vector<32x1xf32>,
    %add3A_553 = arith.addi %min3A_549, %mul3A_4 : vector<32x1xi32>
    %swap3A_554 = arith.constant 0 : index
    %swap3A_555 = arith.constant 14 : index
    %swap3A_556 = vector.load %arg2[%swap3A_554, %swap3A_555] : memref<32x32xi32, #tpu.memory_space<vmem>>, vector<32x1xi32>
    tpu.vector_store %arg2[%swap3A_554, %swap3A_555], %add3A_553 {strides = array<i32>} : memref<32x32xi32, #tpu.memory_space<vmem>>, vector<32x1xi32>,
    %eq3A_557 = vector.broadcast %broadcast_in_dim3A_534 : vector<32x1xi32> to vector<32x1024xi32>
    %eq3A_558 = arith.cmpi eq, %iota3A, %eq3A_557 : vector<32x1024xi32>
    %jit3A_559 = arith.constant 0xFF800000 : f32
    %broadcast_in_dim3A_560 = vector.broadcast %jit3A_559 : f32 to vector<32x1024xf32>
    %select_n3A_561 = arith.select %eq3A_558, %broadcast_in_dim3A_560, %select_n3A_523 : vector<32x1024xi1>, vector<32x1024xf32>
    %reduce_max3A_562 = arith.constant dense<0xFF800000> : vector<32xf32>
    %reduce_max3A_563 = vector.multi_reduction <maximumf>, %select_n3A_561, %reduce_max3A_562 [1] : vector<32x1024xf32> to vector<32xf32>
    %broadcast_in_dim3A_564 = vector.shape_cast %reduce_max3A_563 : vector<32xf32> to vector<32x1xf32>
    %eq3A_565 = vector.broadcast %broadcast_in_dim3A_564 : vector<32x1xf32> to vector<32x1024xf32>
    %eq3A_566 = arith.cmpf oeq, %select_n3A_561, %eq3A_565 : vector<32x1024xf32>
    %jit3A_567 = arith.constant 1024 : i32
    %broadcast_in_dim3A_568 = vector.broadcast %jit3A_567 : i32 to vector<32x1024xi32>
    %select_n3A_569 = arith.select %eq3A_566, %iota3A, %broadcast_in_dim3A_568 : vector<32x1024xi1>, vector<32x1024xi32>
    %reduce_min3A_570 = arith.constant dense<2147483647> : vector<32xi32>
    %reduce_min3A_571 = vector.multi_reduction <minsi>, %select_n3A_569, %reduce_min3A_570 [1] : vector<32x1024xi32> to vector<32xi32>
    %broadcast_in_dim3A_572 = vector.shape_cast %reduce_min3A_571 : vector<32xi32> to vector<32x1xi32>
    %convert_element_type3A_573 = arith.sitofp %broadcast_in_dim3A_572 : vector<32x1xi32> to vector<32x1xf32>
    %div3A_574 = arith.constant 1.024000e+03 : f32
    %div3A_575 = vector.broadcast %div3A_574 : f32 to vector<32x1xf32>
    %div3A_576 = arith.divf %convert_element_type3A_573, %div3A_575 : vector<32x1xf32>
    %mul3A_577 = arith.constant 1.023000e+03 : f32
    %mul3A_578 = vector.broadcast %mul3A_577 : f32 to vector<32x1xf32>
    %mul3A_579 = arith.mulf %div3A_576, %mul3A_578 : vector<32x1xf32>
    %round3A_580 = math.roundeven %mul3A_579 : vector<32x1xf32>
    %convert_element_type3A_581 = arith.fptosi %round3A_580 : vector<32x1xf32> to vector<32x1xi32>
    %jit3A_582 = arith.constant 0 : i32
    %jit3A_583 = arith.constant 1023 : i32
    %max3A_584 = vector.broadcast %jit3A_582 : i32 to vector<32x1xi32>
    %max3A_585 = arith.maxsi %max3A_584, %convert_element_type3A_581 : vector<32x1xi32>
    %min3A_586 = vector.broadcast %jit3A_583 : i32 to vector<32x1xi32>
    %min3A_587 = arith.minsi %min3A_586, %max3A_585 : vector<32x1xi32>
    %swap3A_588 = arith.constant 0 : index
    %swap3A_589 = arith.constant 15 : index
    %swap3A_590 = vector.load %arg1[%swap3A_588, %swap3A_589] : memref<32x32xf32, #tpu.memory_space<vmem>>, vector<32x1xf32>
    tpu.vector_store %arg1[%swap3A_588, %swap3A_589], %div3A_576 {strides = array<i32>} : memref<32x32xf32, #tpu.memory_space<vmem>>, vector<32x1xf32>,
    %add3A_591 = arith.addi %min3A_587, %mul3A_4 : vector<32x1xi32>
    %swap3A_592 = arith.constant 0 : index
    %swap3A_593 = arith.constant 15 : index
    %swap3A_594 = vector.load %arg2[%swap3A_592, %swap3A_593] : memref<32x32xi32, #tpu.memory_space<vmem>>, vector<32x1xi32>
    tpu.vector_store %arg2[%swap3A_592, %swap3A_593], %add3A_591 {strides = array<i32>} : memref<32x32xi32, #tpu.memory_space<vmem>>, vector<32x1xi32>,
    %eq3A_595 = vector.broadcast %broadcast_in_dim3A_572 : vector<32x1xi32> to vector<32x1024xi32>
    %eq3A_596 = arith.cmpi eq, %iota3A, %eq3A_595 : vector<32x1024xi32>
    %jit3A_597 = arith.constant 0xFF800000 : f32
    %broadcast_in_dim3A_598 = vector.broadcast %jit3A_597 : f32 to vector<32x1024xf32>
    %select_n3A_599 = arith.select %eq3A_596, %broadcast_in_dim3A_598, %select_n3A_561 : vector<32x1024xi1>, vector<32x1024xf32>
    %reduce_max3A_600 = arith.constant dense<0xFF800000> : vector<32xf32>
    %reduce_max3A_601 = vector.multi_reduction <maximumf>, %select_n3A_599, %reduce_max3A_600 [1] : vector<32x1024xf32> to vector<32xf32>
    %broadcast_in_dim3A_602 = vector.shape_cast %reduce_max3A_601 : vector<32xf32> to vector<32x1xf32>
    %eq3A_603 = vector.broadcast %broadcast_in_dim3A_602 : vector<32x1xf32> to vector<32x1024xf32>
    %eq3A_604 = arith.cmpf oeq, %select_n3A_599, %eq3A_603 : vector<32x1024xf32>
    %jit3A_605 = arith.constant 1024 : i32
    %broadcast_in_dim3A_606 = vector.broadcast %jit3A_605 : i32 to vector<32x1024xi32>
    %select_n3A_607 = arith.select %eq3A_604, %iota3A, %broadcast_in_dim3A_606 : vector<32x1024xi1>, vector<32x1024xi32>
    %reduce_min3A_608 = arith.constant dense<2147483647> : vector<32xi32>
    %reduce_min3A_609 = vector.multi_reduction <minsi>, %select_n3A_607, %reduce_min3A_608 [1] : vector<32x1024xi32> to vector<32xi32>
    %broadcast_in_dim3A_610 = vector.shape_cast %reduce_min3A_609 : vector<32xi32> to vector<32x1xi32>
    %convert_element_type3A_611 = arith.sitofp %broadcast_in_dim3A_610 : vector<32x1xi32> to vector<32x1xf32>
    %div3A_612 = arith.constant 1.024000e+03 : f32
    %div3A_613 = vector.broadcast %div3A_612 : f32 to vector<32x1xf32>
    %div3A_614 = arith.divf %convert_element_type3A_611, %div3A_613 : vector<32x1xf32>
    %mul3A_615 = arith.constant 1.023000e+03 : f32
    %mul3A_616 = vector.broadcast %mul3A_615 : f32 to vector<32x1xf32>
    %mul3A_617 = arith.mulf %div3A_614, %mul3A_616 : vector<32x1xf32>
    %round3A_618 = math.roundeven %mul3A_617 : vector<32x1xf32>
    %convert_element_type3A_619 = arith.fptosi %round3A_618 : vector<32x1xf32> to vector<32x1xi32>
    %jit3A_620 = arith.constant 0 : i32
    %jit3A_621 = arith.constant 1023 : i32
    %max3A_622 = vector.broadcast %jit3A_620 : i32 to vector<32x1xi32>
    %max3A_623 = arith.maxsi %max3A_622, %convert_element_type3A_619 : vector<32x1xi32>
    %min3A_624 = vector.broadcast %jit3A_621 : i32 to vector<32x1xi32>
    %min3A_625 = arith.minsi %min3A_624, %max3A_623 : vector<32x1xi32>
    %swap3A_626 = arith.constant 0 : index
    %swap3A_627 = arith.constant 16 : index
    %swap3A_628 = vector.load %arg1[%swap3A_626, %swap3A_627] : memref<32x32xf32, #tpu.memory_space<vmem>>, vector<32x1xf32>
    tpu.vector_store %arg1[%swap3A_626, %swap3A_627], %div3A_614 {strides = array<i32>} : memref<32x32xf32, #tpu.memory_space<vmem>>, vector<32x1xf32>,
    %add3A_629 = arith.addi %min3A_625, %mul3A_4 : vector<32x1xi32>
    %swap3A_630 = arith.constant 0 : index
    %swap3A_631 = arith.constant 16 : index
    %swap3A_632 = vector.load %arg2[%swap3A_630, %swap3A_631] : memref<32x32xi32, #tpu.memory_space<vmem>>, vector<32x1xi32>
    tpu.vector_store %arg2[%swap3A_630, %swap3A_631], %add3A_629 {strides = array<i32>} : memref<32x32xi32, #tpu.memory_space<vmem>>, vector<32x1xi32>,
    %eq3A_633 = vector.broadcast %broadcast_in_dim3A_610 : vector<32x1xi32> to vector<32x1024xi32>
    %eq3A_634 = arith.cmpi eq, %iota3A, %eq3A_633 : vector<32x1024xi32>
    %jit3A_635 = arith.constant 0xFF800000 : f32
    %broadcast_in_dim3A_636 = vector.broadcast %jit3A_635 : f32 to vector<32x1024xf32>
    %select_n3A_637 = arith.select %eq3A_634, %broadcast_in_dim3A_636, %select_n3A_599 : vector<32x1024xi1>, vector<32x1024xf32>
    %reduce_max3A_638 = arith.constant dense<0xFF800000> : vector<32xf32>
    %reduce_max3A_639 = vector.multi_reduction <maximumf>, %select_n3A_637, %reduce_max3A_638 [1] : vector<32x1024xf32> to vector<32xf32>
    %broadcast_in_dim3A_640 = vector.shape_cast %reduce_max3A_639 : vector<32xf32> to vector<32x1xf32>
    %eq3A_641 = vector.broadcast %broadcast_in_dim3A_640 : vector<32x1xf32> to vector<32x1024xf32>
    %eq3A_642 = arith.cmpf oeq, %select_n3A_637, %eq3A_641 : vector<32x1024xf32>
    %jit3A_643 = arith.constant 1024 : i32
    %broadcast_in_dim3A_644 = vector.broadcast %jit3A_643 : i32 to vector<32x1024xi32>
    %select_n3A_645 = arith.select %eq3A_642, %iota3A, %broadcast_in_dim3A_644 : vector<32x1024xi1>, vector<32x1024xi32>
    %reduce_min3A_646 = arith.constant dense<2147483647> : vector<32xi32>
    %reduce_min3A_647 = vector.multi_reduction <minsi>, %select_n3A_645, %reduce_min3A_646 [1] : vector<32x1024xi32> to vector<32xi32>
    %broadcast_in_dim3A_648 = vector.shape_cast %reduce_min3A_647 : vector<32xi32> to vector<32x1xi32>
    %convert_element_type3A_649 = arith.sitofp %broadcast_in_dim3A_648 : vector<32x1xi32> to vector<32x1xf32>
    %div3A_650 = arith.constant 1.024000e+03 : f32
    %div3A_651 = vector.broadcast %div3A_650 : f32 to vector<32x1xf32>
    %div3A_652 = arith.divf %convert_element_type3A_649, %div3A_651 : vector<32x1xf32>
    %mul3A_653 = arith.constant 1.023000e+03 : f32
    %mul3A_654 = vector.broadcast %mul3A_653 : f32 to vector<32x1xf32>
    %mul3A_655 = arith.mulf %div3A_652, %mul3A_654 : vector<32x1xf32>
    %round3A_656 = math.roundeven %mul3A_655 : vector<32x1xf32>
    %convert_element_type3A_657 = arith.fptosi %round3A_656 : vector<32x1xf32> to vector<32x1xi32>
    %jit3A_658 = arith.constant 0 : i32
    %jit3A_659 = arith.constant 1023 : i32
    %max3A_660 = vector.broadcast %jit3A_658 : i32 to vector<32x1xi32>
    %max3A_661 = arith.maxsi %max3A_660, %convert_element_type3A_657 : vector<32x1xi32>
    %min3A_662 = vector.broadcast %jit3A_659 : i32 to vector<32x1xi32>
    %min3A_663 = arith.minsi %min3A_662, %max3A_661 : vector<32x1xi32>
    %swap3A_664 = arith.constant 0 : index
    %swap3A_665 = arith.constant 17 : index
    %swap3A_666 = vector.load %arg1[%swap3A_664, %swap3A_665] : memref<32x32xf32, #tpu.memory_space<vmem>>, vector<32x1xf32>
    tpu.vector_store %arg1[%swap3A_664, %swap3A_665], %div3A_652 {strides = array<i32>} : memref<32x32xf32, #tpu.memory_space<vmem>>, vector<32x1xf32>,
    %add3A_667 = arith.addi %min3A_663, %mul3A_4 : vector<32x1xi32>
    %swap3A_668 = arith.constant 0 : index
    %swap3A_669 = arith.constant 17 : index
    %swap3A_670 = vector.load %arg2[%swap3A_668, %swap3A_669] : memref<32x32xi32, #tpu.memory_space<vmem>>, vector<32x1xi32>
    tpu.vector_store %arg2[%swap3A_668, %swap3A_669], %add3A_667 {strides = array<i32>} : memref<32x32xi32, #tpu.memory_space<vmem>>, vector<32x1xi32>,
    %eq3A_671 = vector.broadcast %broadcast_in_dim3A_648 : vector<32x1xi32> to vector<32x1024xi32>
    %eq3A_672 = arith.cmpi eq, %iota3A, %eq3A_671 : vector<32x1024xi32>
    %jit3A_673 = arith.constant 0xFF800000 : f32
    %broadcast_in_dim3A_674 = vector.broadcast %jit3A_673 : f32 to vector<32x1024xf32>
    %select_n3A_675 = arith.select %eq3A_672, %broadcast_in_dim3A_674, %select_n3A_637 : vector<32x1024xi1>, vector<32x1024xf32>
    %reduce_max3A_676 = arith.constant dense<0xFF800000> : vector<32xf32>
    %reduce_max3A_677 = vector.multi_reduction <maximumf>, %select_n3A_675, %reduce_max3A_676 [1] : vector<32x1024xf32> to vector<32xf32>
    %broadcast_in_dim3A_678 = vector.shape_cast %reduce_max3A_677 : vector<32xf32> to vector<32x1xf32>
    %eq3A_679 = vector.broadcast %broadcast_in_dim3A_678 : vector<32x1xf32> to vector<32x1024xf32>
    %eq3A_680 = arith.cmpf oeq, %select_n3A_675, %eq3A_679 : vector<32x1024xf32>
    %jit3A_681 = arith.constant 1024 : i32
    %broadcast_in_dim3A_682 = vector.broadcast %jit3A_681 : i32 to vector<32x1024xi32>
    %select_n3A_683 = arith.select %eq3A_680, %iota3A, %broadcast_in_dim3A_682 : vector<32x1024xi1>, vector<32x1024xi32>
    %reduce_min3A_684 = arith.constant dense<2147483647> : vector<32xi32>
    %reduce_min3A_685 = vector.multi_reduction <minsi>, %select_n3A_683, %reduce_min3A_684 [1] : vector<32x1024xi32> to vector<32xi32>
    %broadcast_in_dim3A_686 = vector.shape_cast %reduce_min3A_685 : vector<32xi32> to vector<32x1xi32>
    %convert_element_type3A_687 = arith.sitofp %broadcast_in_dim3A_686 : vector<32x1xi32> to vector<32x1xf32>
    %div3A_688 = arith.constant 1.024000e+03 : f32
    %div3A_689 = vector.broadcast %div3A_688 : f32 to vector<32x1xf32>
    %div3A_690 = arith.divf %convert_element_type3A_687, %div3A_689 : vector<32x1xf32>
    %mul3A_691 = arith.constant 1.023000e+03 : f32
    %mul3A_692 = vector.broadcast %mul3A_691 : f32 to vector<32x1xf32>
    %mul3A_693 = arith.mulf %div3A_690, %mul3A_692 : vector<32x1xf32>
    %round3A_694 = math.roundeven %mul3A_693 : vector<32x1xf32>
    %convert_element_type3A_695 = arith.fptosi %round3A_694 : vector<32x1xf32> to vector<32x1xi32>
    %jit3A_696 = arith.constant 0 : i32
    %jit3A_697 = arith.constant 1023 : i32
    %max3A_698 = vector.broadcast %jit3A_696 : i32 to vector<32x1xi32>
    %max3A_699 = arith.maxsi %max3A_698, %convert_element_type3A_695 : vector<32x1xi32>
    %min3A_700 = vector.broadcast %jit3A_697 : i32 to vector<32x1xi32>
    %min3A_701 = arith.minsi %min3A_700, %max3A_699 : vector<32x1xi32>
    %swap3A_702 = arith.constant 0 : index
    %swap3A_703 = arith.constant 18 : index
    %swap3A_704 = vector.load %arg1[%swap3A_702, %swap3A_703] : memref<32x32xf32, #tpu.memory_space<vmem>>, vector<32x1xf32>
    tpu.vector_store %arg1[%swap3A_702, %swap3A_703], %div3A_690 {strides = array<i32>} : memref<32x32xf32, #tpu.memory_space<vmem>>, vector<32x1xf32>,
    %add3A_705 = arith.addi %min3A_701, %mul3A_4 : vector<32x1xi32>
    %swap3A_706 = arith.constant 0 : index
    %swap3A_707 = arith.constant 18 : index
    %swap3A_708 = vector.load %arg2[%swap3A_706, %swap3A_707] : memref<32x32xi32, #tpu.memory_space<vmem>>, vector<32x1xi32>
    tpu.vector_store %arg2[%swap3A_706, %swap3A_707], %add3A_705 {strides = array<i32>} : memref<32x32xi32, #tpu.memory_space<vmem>>, vector<32x1xi32>,
    %eq3A_709 = vector.broadcast %broadcast_in_dim3A_686 : vector<32x1xi32> to vector<32x1024xi32>
    %eq3A_710 = arith.cmpi eq, %iota3A, %eq3A_709 : vector<32x1024xi32>
    %jit3A_711 = arith.constant 0xFF800000 : f32
    %broadcast_in_dim3A_712 = vector.broadcast %jit3A_711 : f32 to vector<32x1024xf32>
    %select_n3A_713 = arith.select %eq3A_710, %broadcast_in_dim3A_712, %select_n3A_675 : vector<32x1024xi1>, vector<32x1024xf32>
    %reduce_max3A_714 = arith.constant dense<0xFF800000> : vector<32xf32>
    %reduce_max3A_715 = vector.multi_reduction <maximumf>, %select_n3A_713, %reduce_max3A_714 [1] : vector<32x1024xf32> to vector<32xf32>
    %broadcast_in_dim3A_716 = vector.shape_cast %reduce_max3A_715 : vector<32xf32> to vector<32x1xf32>
    %eq3A_717 = vector.broadcast %broadcast_in_dim3A_716 : vector<32x1xf32> to vector<32x1024xf32>
    %eq3A_718 = arith.cmpf oeq, %select_n3A_713, %eq3A_717 : vector<32x1024xf32>
    %jit3A_719 = arith.constant 1024 : i32
    %broadcast_in_dim3A_720 = vector.broadcast %jit3A_719 : i32 to vector<32x1024xi32>
    %select_n3A_721 = arith.select %eq3A_718, %iota3A, %broadcast_in_dim3A_720 : vector<32x1024xi1>, vector<32x1024xi32>
    %reduce_min3A_722 = arith.constant dense<2147483647> : vector<32xi32>
    %reduce_min3A_723 = vector.multi_reduction <minsi>, %select_n3A_721, %reduce_min3A_722 [1] : vector<32x1024xi32> to vector<32xi32>
    %broadcast_in_dim3A_724 = vector.shape_cast %reduce_min3A_723 : vector<32xi32> to vector<32x1xi32>
    %convert_element_type3A_725 = arith.sitofp %broadcast_in_dim3A_724 : vector<32x1xi32> to vector<32x1xf32>
    %div3A_726 = arith.constant 1.024000e+03 : f32
    %div3A_727 = vector.broadcast %div3A_726 : f32 to vector<32x1xf32>
    %div3A_728 = arith.divf %convert_element_type3A_725, %div3A_727 : vector<32x1xf32>
    %mul3A_729 = arith.constant 1.023000e+03 : f32
    %mul3A_730 = vector.broadcast %mul3A_729 : f32 to vector<32x1xf32>
    %mul3A_731 = arith.mulf %div3A_728, %mul3A_730 : vector<32x1xf32>
    %round3A_732 = math.roundeven %mul3A_731 : vector<32x1xf32>
    %convert_element_type3A_733 = arith.fptosi %round3A_732 : vector<32x1xf32> to vector<32x1xi32>
    %jit3A_734 = arith.constant 0 : i32
    %jit3A_735 = arith.constant 1023 : i32
    %max3A_736 = vector.broadcast %jit3A_734 : i32 to vector<32x1xi32>
    %max3A_737 = arith.maxsi %max3A_736, %convert_element_type3A_733 : vector<32x1xi32>
    %min3A_738 = vector.broadcast %jit3A_735 : i32 to vector<32x1xi32>
    %min3A_739 = arith.minsi %min3A_738, %max3A_737 : vector<32x1xi32>
    %swap3A_740 = arith.constant 0 : index
    %swap3A_741 = arith.constant 19 : index
    %swap3A_742 = vector.load %arg1[%swap3A_740, %swap3A_741] : memref<32x32xf32, #tpu.memory_space<vmem>>, vector<32x1xf32>
    tpu.vector_store %arg1[%swap3A_740, %swap3A_741], %div3A_728 {strides = array<i32>} : memref<32x32xf32, #tpu.memory_space<vmem>>, vector<32x1xf32>,
    %add3A_743 = arith.addi %min3A_739, %mul3A_4 : vector<32x1xi32>
    %swap3A_744 = arith.constant 0 : index
    %swap3A_745 = arith.constant 19 : index
    %swap3A_746 = vector.load %arg2[%swap3A_744, %swap3A_745] : memref<32x32xi32, #tpu.memory_space<vmem>>, vector<32x1xi32>
    tpu.vector_store %arg2[%swap3A_744, %swap3A_745], %add3A_743 {strides = array<i32>} : memref<32x32xi32, #tpu.memory_space<vmem>>, vector<32x1xi32>,
    %eq3A_747 = vector.broadcast %broadcast_in_dim3A_724 : vector<32x1xi32> to vector<32x1024xi32>
    %eq3A_748 = arith.cmpi eq, %iota3A, %eq3A_747 : vector<32x1024xi32>
    %jit3A_749 = arith.constant 0xFF800000 : f32
    %broadcast_in_dim3A_750 = vector.broadcast %jit3A_749 : f32 to vector<32x1024xf32>
    %select_n3A_751 = arith.select %eq3A_748, %broadcast_in_dim3A_750, %select_n3A_713 : vector<32x1024xi1>, vector<32x1024xf32>
    %reduce_max3A_752 = arith.constant dense<0xFF800000> : vector<32xf32>
    %reduce_max3A_753 = vector.multi_reduction <maximumf>, %select_n3A_751, %reduce_max3A_752 [1] : vector<32x1024xf32> to vector<32xf32>
    %broadcast_in_dim3A_754 = vector.shape_cast %reduce_max3A_753 : vector<32xf32> to vector<32x1xf32>
    %eq3A_755 = vector.broadcast %broadcast_in_dim3A_754 : vector<32x1xf32> to vector<32x1024xf32>
    %eq3A_756 = arith.cmpf oeq, %select_n3A_751, %eq3A_755 : vector<32x1024xf32>
    %jit3A_757 = arith.constant 1024 : i32
    %broadcast_in_dim3A_758 = vector.broadcast %jit3A_757 : i32 to vector<32x1024xi32>
    %select_n3A_759 = arith.select %eq3A_756, %iota3A, %broadcast_in_dim3A_758 : vector<32x1024xi1>, vector<32x1024xi32>
    %reduce_min3A_760 = arith.constant dense<2147483647> : vector<32xi32>
    %reduce_min3A_761 = vector.multi_reduction <minsi>, %select_n3A_759, %reduce_min3A_760 [1] : vector<32x1024xi32> to vector<32xi32>
    %broadcast_in_dim3A_762 = vector.shape_cast %reduce_min3A_761 : vector<32xi32> to vector<32x1xi32>
    %convert_element_type3A_763 = arith.sitofp %broadcast_in_dim3A_762 : vector<32x1xi32> to vector<32x1xf32>
    %div3A_764 = arith.constant 1.024000e+03 : f32
    %div3A_765 = vector.broadcast %div3A_764 : f32 to vector<32x1xf32>
    %div3A_766 = arith.divf %convert_element_type3A_763, %div3A_765 : vector<32x1xf32>
    %mul3A_767 = arith.constant 1.023000e+03 : f32
    %mul3A_768 = vector.broadcast %mul3A_767 : f32 to vector<32x1xf32>
    %mul3A_769 = arith.mulf %div3A_766, %mul3A_768 : vector<32x1xf32>
    %round3A_770 = math.roundeven %mul3A_769 : vector<32x1xf32>
    %convert_element_type3A_771 = arith.fptosi %round3A_770 : vector<32x1xf32> to vector<32x1xi32>
    %jit3A_772 = arith.constant 0 : i32
    %jit3A_773 = arith.constant 1023 : i32
    %max3A_774 = vector.broadcast %jit3A_772 : i32 to vector<32x1xi32>
    %max3A_775 = arith.maxsi %max3A_774, %convert_element_type3A_771 : vector<32x1xi32>
    %min3A_776 = vector.broadcast %jit3A_773 : i32 to vector<32x1xi32>
    %min3A_777 = arith.minsi %min3A_776, %max3A_775 : vector<32x1xi32>
    %swap3A_778 = arith.constant 0 : index
    %swap3A_779 = arith.constant 20 : index
    %swap3A_780 = vector.load %arg1[%swap3A_778, %swap3A_779] : memref<32x32xf32, #tpu.memory_space<vmem>>, vector<32x1xf32>
    tpu.vector_store %arg1[%swap3A_778, %swap3A_779], %div3A_766 {strides = array<i32>} : memref<32x32xf32, #tpu.memory_space<vmem>>, vector<32x1xf32>,
    %add3A_781 = arith.addi %min3A_777, %mul3A_4 : vector<32x1xi32>
    %swap3A_782 = arith.constant 0 : index
    %swap3A_783 = arith.constant 20 : index
    %swap3A_784 = vector.load %arg2[%swap3A_782, %swap3A_783] : memref<32x32xi32, #tpu.memory_space<vmem>>, vector<32x1xi32>
    tpu.vector_store %arg2[%swap3A_782, %swap3A_783], %add3A_781 {strides = array<i32>} : memref<32x32xi32, #tpu.memory_space<vmem>>, vector<32x1xi32>,
    %eq3A_785 = vector.broadcast %broadcast_in_dim3A_762 : vector<32x1xi32> to vector<32x1024xi32>
    %eq3A_786 = arith.cmpi eq, %iota3A, %eq3A_785 : vector<32x1024xi32>
    %jit3A_787 = arith.constant 0xFF800000 : f32
    %broadcast_in_dim3A_788 = vector.broadcast %jit3A_787 : f32 to vector<32x1024xf32>
    %select_n3A_789 = arith.select %eq3A_786, %broadcast_in_dim3A_788, %select_n3A_751 : vector<32x1024xi1>, vector<32x1024xf32>
    %reduce_max3A_790 = arith.constant dense<0xFF800000> : vector<32xf32>
    %reduce_max3A_791 = vector.multi_reduction <maximumf>, %select_n3A_789, %reduce_max3A_790 [1] : vector<32x1024xf32> to vector<32xf32>
    %broadcast_in_dim3A_792 = vector.shape_cast %reduce_max3A_791 : vector<32xf32> to vector<32x1xf32>
    %eq3A_793 = vector.broadcast %broadcast_in_dim3A_792 : vector<32x1xf32> to vector<32x1024xf32>
    %eq3A_794 = arith.cmpf oeq, %select_n3A_789, %eq3A_793 : vector<32x1024xf32>
    %jit3A_795 = arith.constant 1024 : i32
    %broadcast_in_dim3A_796 = vector.broadcast %jit3A_795 : i32 to vector<32x1024xi32>
    %select_n3A_797 = arith.select %eq3A_794, %iota3A, %broadcast_in_dim3A_796 : vector<32x1024xi1>, vector<32x1024xi32>
    %reduce_min3A_798 = arith.constant dense<2147483647> : vector<32xi32>
    %reduce_min3A_799 = vector.multi_reduction <minsi>, %select_n3A_797, %reduce_min3A_798 [1] : vector<32x1024xi32> to vector<32xi32>
    %broadcast_in_dim3A_800 = vector.shape_cast %reduce_min3A_799 : vector<32xi32> to vector<32x1xi32>
    %convert_element_type3A_801 = arith.sitofp %broadcast_in_dim3A_800 : vector<32x1xi32> to vector<32x1xf32>
    %div3A_802 = arith.constant 1.024000e+03 : f32
    %div3A_803 = vector.broadcast %div3A_802 : f32 to vector<32x1xf32>
    %div3A_804 = arith.divf %convert_element_type3A_801, %div3A_803 : vector<32x1xf32>
    %mul3A_805 = arith.constant 1.023000e+03 : f32
    %mul3A_806 = vector.broadcast %mul3A_805 : f32 to vector<32x1xf32>
    %mul3A_807 = arith.mulf %div3A_804, %mul3A_806 : vector<32x1xf32>
    %round3A_808 = math.roundeven %mul3A_807 : vector<32x1xf32>
    %convert_element_type3A_809 = arith.fptosi %round3A_808 : vector<32x1xf32> to vector<32x1xi32>
    %jit3A_810 = arith.constant 0 : i32
    %jit3A_811 = arith.constant 1023 : i32
    %max3A_812 = vector.broadcast %jit3A_810 : i32 to vector<32x1xi32>
    %max3A_813 = arith.maxsi %max3A_812, %convert_element_type3A_809 : vector<32x1xi32>
    %min3A_814 = vector.broadcast %jit3A_811 : i32 to vector<32x1xi32>
    %min3A_815 = arith.minsi %min3A_814, %max3A_813 : vector<32x1xi32>
    %swap3A_816 = arith.constant 0 : index
    %swap3A_817 = arith.constant 21 : index
    %swap3A_818 = vector.load %arg1[%swap3A_816, %swap3A_817] : memref<32x32xf32, #tpu.memory_space<vmem>>, vector<32x1xf32>
    tpu.vector_store %arg1[%swap3A_816, %swap3A_817], %div3A_804 {strides = array<i32>} : memref<32x32xf32, #tpu.memory_space<vmem>>, vector<32x1xf32>,
    %add3A_819 = arith.addi %min3A_815, %mul3A_4 : vector<32x1xi32>
    %swap3A_820 = arith.constant 0 : index
    %swap3A_821 = arith.constant 21 : index
    %swap3A_822 = vector.load %arg2[%swap3A_820, %swap3A_821] : memref<32x32xi32, #tpu.memory_space<vmem>>, vector<32x1xi32>
    tpu.vector_store %arg2[%swap3A_820, %swap3A_821], %add3A_819 {strides = array<i32>} : memref<32x32xi32, #tpu.memory_space<vmem>>, vector<32x1xi32>,
    %eq3A_823 = vector.broadcast %broadcast_in_dim3A_800 : vector<32x1xi32> to vector<32x1024xi32>
    %eq3A_824 = arith.cmpi eq, %iota3A, %eq3A_823 : vector<32x1024xi32>
    %jit3A_825 = arith.constant 0xFF800000 : f32
    %broadcast_in_dim3A_826 = vector.broadcast %jit3A_825 : f32 to vector<32x1024xf32>
    %select_n3A_827 = arith.select %eq3A_824, %broadcast_in_dim3A_826, %select_n3A_789 : vector<32x1024xi1>, vector<32x1024xf32>
    %reduce_max3A_828 = arith.constant dense<0xFF800000> : vector<32xf32>
    %reduce_max3A_829 = vector.multi_reduction <maximumf>, %select_n3A_827, %reduce_max3A_828 [1] : vector<32x1024xf32> to vector<32xf32>
    %broadcast_in_dim3A_830 = vector.shape_cast %reduce_max3A_829 : vector<32xf32> to vector<32x1xf32>
    %eq3A_831 = vector.broadcast %broadcast_in_dim3A_830 : vector<32x1xf32> to vector<32x1024xf32>
    %eq3A_832 = arith.cmpf oeq, %select_n3A_827, %eq3A_831 : vector<32x1024xf32>
    %jit3A_833 = arith.constant 1024 : i32
    %broadcast_in_dim3A_834 = vector.broadcast %jit3A_833 : i32 to vector<32x1024xi32>
    %select_n3A_835 = arith.select %eq3A_832, %iota3A, %broadcast_in_dim3A_834 : vector<32x1024xi1>, vector<32x1024xi32>
    %reduce_min3A_836 = arith.constant dense<2147483647> : vector<32xi32>
    %reduce_min3A_837 = vector.multi_reduction <minsi>, %select_n3A_835, %reduce_min3A_836 [1] : vector<32x1024xi32> to vector<32xi32>
    %broadcast_in_dim3A_838 = vector.shape_cast %reduce_min3A_837 : vector<32xi32> to vector<32x1xi32>
    %convert_element_type3A_839 = arith.sitofp %broadcast_in_dim3A_838 : vector<32x1xi32> to vector<32x1xf32>
    %div3A_840 = arith.constant 1.024000e+03 : f32
    %div3A_841 = vector.broadcast %div3A_840 : f32 to vector<32x1xf32>
    %div3A_842 = arith.divf %convert_element_type3A_839, %div3A_841 : vector<32x1xf32>
    %mul3A_843 = arith.constant 1.023000e+03 : f32
    %mul3A_844 = vector.broadcast %mul3A_843 : f32 to vector<32x1xf32>
    %mul3A_845 = arith.mulf %div3A_842, %mul3A_844 : vector<32x1xf32>
    %round3A_846 = math.roundeven %mul3A_845 : vector<32x1xf32>
    %convert_element_type3A_847 = arith.fptosi %round3A_846 : vector<32x1xf32> to vector<32x1xi32>
    %jit3A_848 = arith.constant 0 : i32
    %jit3A_849 = arith.constant 1023 : i32
    %max3A_850 = vector.broadcast %jit3A_848 : i32 to vector<32x1xi32>
    %max3A_851 = arith.maxsi %max3A_850, %convert_element_type3A_847 : vector<32x1xi32>
    %min3A_852 = vector.broadcast %jit3A_849 : i32 to vector<32x1xi32>
    %min3A_853 = arith.minsi %min3A_852, %max3A_851 : vector<32x1xi32>
    %swap3A_854 = arith.constant 0 : index
    %swap3A_855 = arith.constant 22 : index
    %swap3A_856 = vector.load %arg1[%swap3A_854, %swap3A_855] : memref<32x32xf32, #tpu.memory_space<vmem>>, vector<32x1xf32>
    tpu.vector_store %arg1[%swap3A_854, %swap3A_855], %div3A_842 {strides = array<i32>} : memref<32x32xf32, #tpu.memory_space<vmem>>, vector<32x1xf32>,
    %add3A_857 = arith.addi %min3A_853, %mul3A_4 : vector<32x1xi32>
    %swap3A_858 = arith.constant 0 : index
    %swap3A_859 = arith.constant 22 : index
    %swap3A_860 = vector.load %arg2[%swap3A_858, %swap3A_859] : memref<32x32xi32, #tpu.memory_space<vmem>>, vector<32x1xi32>
    tpu.vector_store %arg2[%swap3A_858, %swap3A_859], %add3A_857 {strides = array<i32>} : memref<32x32xi32, #tpu.memory_space<vmem>>, vector<32x1xi32>,
    %eq3A_861 = vector.broadcast %broadcast_in_dim3A_838 : vector<32x1xi32> to vector<32x1024xi32>
    %eq3A_862 = arith.cmpi eq, %iota3A, %eq3A_861 : vector<32x1024xi32>
    %jit3A_863 = arith.constant 0xFF800000 : f32
    %broadcast_in_dim3A_864 = vector.broadcast %jit3A_863 : f32 to vector<32x1024xf32>
    %select_n3A_865 = arith.select %eq3A_862, %broadcast_in_dim3A_864, %select_n3A_827 : vector<32x1024xi1>, vector<32x1024xf32>
    %reduce_max3A_866 = arith.constant dense<0xFF800000> : vector<32xf32>
    %reduce_max3A_867 = vector.multi_reduction <maximumf>, %select_n3A_865, %reduce_max3A_866 [1] : vector<32x1024xf32> to vector<32xf32>
    %broadcast_in_dim3A_868 = vector.shape_cast %reduce_max3A_867 : vector<32xf32> to vector<32x1xf32>
    %eq3A_869 = vector.broadcast %broadcast_in_dim3A_868 : vector<32x1xf32> to vector<32x1024xf32>
    %eq3A_870 = arith.cmpf oeq, %select_n3A_865, %eq3A_869 : vector<32x1024xf32>
    %jit3A_871 = arith.constant 1024 : i32
    %broadcast_in_dim3A_872 = vector.broadcast %jit3A_871 : i32 to vector<32x1024xi32>
    %select_n3A_873 = arith.select %eq3A_870, %iota3A, %broadcast_in_dim3A_872 : vector<32x1024xi1>, vector<32x1024xi32>
    %reduce_min3A_874 = arith.constant dense<2147483647> : vector<32xi32>
    %reduce_min3A_875 = vector.multi_reduction <minsi>, %select_n3A_873, %reduce_min3A_874 [1] : vector<32x1024xi32> to vector<32xi32>
    %broadcast_in_dim3A_876 = vector.shape_cast %reduce_min3A_875 : vector<32xi32> to vector<32x1xi32>
    %convert_element_type3A_877 = arith.sitofp %broadcast_in_dim3A_876 : vector<32x1xi32> to vector<32x1xf32>
    %div3A_878 = arith.constant 1.024000e+03 : f32
    %div3A_879 = vector.broadcast %div3A_878 : f32 to vector<32x1xf32>
    %div3A_880 = arith.divf %convert_element_type3A_877, %div3A_879 : vector<32x1xf32>
    %mul3A_881 = arith.constant 1.023000e+03 : f32
    %mul3A_882 = vector.broadcast %mul3A_881 : f32 to vector<32x1xf32>
    %mul3A_883 = arith.mulf %div3A_880, %mul3A_882 : vector<32x1xf32>
    %round3A_884 = math.roundeven %mul3A_883 : vector<32x1xf32>
    %convert_element_type3A_885 = arith.fptosi %round3A_884 : vector<32x1xf32> to vector<32x1xi32>
    %jit3A_886 = arith.constant 0 : i32
    %jit3A_887 = arith.constant 1023 : i32
    %max3A_888 = vector.broadcast %jit3A_886 : i32 to vector<32x1xi32>
    %max3A_889 = arith.maxsi %max3A_888, %convert_element_type3A_885 : vector<32x1xi32>
    %min3A_890 = vector.broadcast %jit3A_887 : i32 to vector<32x1xi32>
    %min3A_891 = arith.minsi %min3A_890, %max3A_889 : vector<32x1xi32>
    %swap3A_892 = arith.constant 0 : index
    %swap3A_893 = arith.constant 23 : index
    %swap3A_894 = vector.load %arg1[%swap3A_892, %swap3A_893] : memref<32x32xf32, #tpu.memory_space<vmem>>, vector<32x1xf32>
    tpu.vector_store %arg1[%swap3A_892, %swap3A_893], %div3A_880 {strides = array<i32>} : memref<32x32xf32, #tpu.memory_space<vmem>>, vector<32x1xf32>,
    %add3A_895 = arith.addi %min3A_891, %mul3A_4 : vector<32x1xi32>
    %swap3A_896 = arith.constant 0 : index
    %swap3A_897 = arith.constant 23 : index
    %swap3A_898 = vector.load %arg2[%swap3A_896, %swap3A_897] : memref<32x32xi32, #tpu.memory_space<vmem>>, vector<32x1xi32>
    tpu.vector_store %arg2[%swap3A_896, %swap3A_897], %add3A_895 {strides = array<i32>} : memref<32x32xi32, #tpu.memory_space<vmem>>, vector<32x1xi32>,
    %eq3A_899 = vector.broadcast %broadcast_in_dim3A_876 : vector<32x1xi32> to vector<32x1024xi32>
    %eq3A_900 = arith.cmpi eq, %iota3A, %eq3A_899 : vector<32x1024xi32>
    %jit3A_901 = arith.constant 0xFF800000 : f32
    %broadcast_in_dim3A_902 = vector.broadcast %jit3A_901 : f32 to vector<32x1024xf32>
    %select_n3A_903 = arith.select %eq3A_900, %broadcast_in_dim3A_902, %select_n3A_865 : vector<32x1024xi1>, vector<32x1024xf32>
    %reduce_max3A_904 = arith.constant dense<0xFF800000> : vector<32xf32>
    %reduce_max3A_905 = vector.multi_reduction <maximumf>, %select_n3A_903, %reduce_max3A_904 [1] : vector<32x1024xf32> to vector<32xf32>
    %broadcast_in_dim3A_906 = vector.shape_cast %reduce_max3A_905 : vector<32xf32> to vector<32x1xf32>
    %eq3A_907 = vector.broadcast %broadcast_in_dim3A_906 : vector<32x1xf32> to vector<32x1024xf32>
    %eq3A_908 = arith.cmpf oeq, %select_n3A_903, %eq3A_907 : vector<32x1024xf32>
    %jit3A_909 = arith.constant 1024 : i32
    %broadcast_in_dim3A_910 = vector.broadcast %jit3A_909 : i32 to vector<32x1024xi32>
    %select_n3A_911 = arith.select %eq3A_908, %iota3A, %broadcast_in_dim3A_910 : vector<32x1024xi1>, vector<32x1024xi32>
    %reduce_min3A_912 = arith.constant dense<2147483647> : vector<32xi32>
    %reduce_min3A_913 = vector.multi_reduction <minsi>, %select_n3A_911, %reduce_min3A_912 [1] : vector<32x1024xi32> to vector<32xi32>
    %broadcast_in_dim3A_914 = vector.shape_cast %reduce_min3A_913 : vector<32xi32> to vector<32x1xi32>
    %convert_element_type3A_915 = arith.sitofp %broadcast_in_dim3A_914 : vector<32x1xi32> to vector<32x1xf32>
    %div3A_916 = arith.constant 1.024000e+03 : f32
    %div3A_917 = vector.broadcast %div3A_916 : f32 to vector<32x1xf32>
    %div3A_918 = arith.divf %convert_element_type3A_915, %div3A_917 : vector<32x1xf32>
    %mul3A_919 = arith.constant 1.023000e+03 : f32
    %mul3A_920 = vector.broadcast %mul3A_919 : f32 to vector<32x1xf32>
    %mul3A_921 = arith.mulf %div3A_918, %mul3A_920 : vector<32x1xf32>
    %round3A_922 = math.roundeven %mul3A_921 : vector<32x1xf32>
    %convert_element_type3A_923 = arith.fptosi %round3A_922 : vector<32x1xf32> to vector<32x1xi32>
    %jit3A_924 = arith.constant 0 : i32
    %jit3A_925 = arith.constant 1023 : i32
    %max3A_926 = vector.broadcast %jit3A_924 : i32 to vector<32x1xi32>
    %max3A_927 = arith.maxsi %max3A_926, %convert_element_type3A_923 : vector<32x1xi32>
    %min3A_928 = vector.broadcast %jit3A_925 : i32 to vector<32x1xi32>
    %min3A_929 = arith.minsi %min3A_928, %max3A_927 : vector<32x1xi32>
    %swap3A_930 = arith.constant 0 : index
    %swap3A_931 = arith.constant 24 : index
    %swap3A_932 = vector.load %arg1[%swap3A_930, %swap3A_931] : memref<32x32xf32, #tpu.memory_space<vmem>>, vector<32x1xf32>
    tpu.vector_store %arg1[%swap3A_930, %swap3A_931], %div3A_918 {strides = array<i32>} : memref<32x32xf32, #tpu.memory_space<vmem>>, vector<32x1xf32>,
    %add3A_933 = arith.addi %min3A_929, %mul3A_4 : vector<32x1xi32>
    %swap3A_934 = arith.constant 0 : index
    %swap3A_935 = arith.constant 24 : index
    %swap3A_936 = vector.load %arg2[%swap3A_934, %swap3A_935] : memref<32x32xi32, #tpu.memory_space<vmem>>, vector<32x1xi32>
    tpu.vector_store %arg2[%swap3A_934, %swap3A_935], %add3A_933 {strides = array<i32>} : memref<32x32xi32, #tpu.memory_space<vmem>>, vector<32x1xi32>,
    %eq3A_937 = vector.broadcast %broadcast_in_dim3A_914 : vector<32x1xi32> to vector<32x1024xi32>
    %eq3A_938 = arith.cmpi eq, %iota3A, %eq3A_937 : vector<32x1024xi32>
    %jit3A_939 = arith.constant 0xFF800000 : f32
    %broadcast_in_dim3A_940 = vector.broadcast %jit3A_939 : f32 to vector<32x1024xf32>
    %select_n3A_941 = arith.select %eq3A_938, %broadcast_in_dim3A_940, %select_n3A_903 : vector<32x1024xi1>, vector<32x1024xf32>
    %reduce_max3A_942 = arith.constant dense<0xFF800000> : vector<32xf32>
    %reduce_max3A_943 = vector.multi_reduction <maximumf>, %select_n3A_941, %reduce_max3A_942 [1] : vector<32x1024xf32> to vector<32xf32>
    %broadcast_in_dim3A_944 = vector.shape_cast %reduce_max3A_943 : vector<32xf32> to vector<32x1xf32>
    %eq3A_945 = vector.broadcast %broadcast_in_dim3A_944 : vector<32x1xf32> to vector<32x1024xf32>
    %eq3A_946 = arith.cmpf oeq, %select_n3A_941, %eq3A_945 : vector<32x1024xf32>
    %jit3A_947 = arith.constant 1024 : i32
    %broadcast_in_dim3A_948 = vector.broadcast %jit3A_947 : i32 to vector<32x1024xi32>
    %select_n3A_949 = arith.select %eq3A_946, %iota3A, %broadcast_in_dim3A_948 : vector<32x1024xi1>, vector<32x1024xi32>
    %reduce_min3A_950 = arith.constant dense<2147483647> : vector<32xi32>
    %reduce_min3A_951 = vector.multi_reduction <minsi>, %select_n3A_949, %reduce_min3A_950 [1] : vector<32x1024xi32> to vector<32xi32>
    %broadcast_in_dim3A_952 = vector.shape_cast %reduce_min3A_951 : vector<32xi32> to vector<32x1xi32>
    %convert_element_type3A_953 = arith.sitofp %broadcast_in_dim3A_952 : vector<32x1xi32> to vector<32x1xf32>
    %div3A_954 = arith.constant 1.024000e+03 : f32
    %div3A_955 = vector.broadcast %div3A_954 : f32 to vector<32x1xf32>
    %div3A_956 = arith.divf %convert_element_type3A_953, %div3A_955 : vector<32x1xf32>
    %mul3A_957 = arith.constant 1.023000e+03 : f32
    %mul3A_958 = vector.broadcast %mul3A_957 : f32 to vector<32x1xf32>
    %mul3A_959 = arith.mulf %div3A_956, %mul3A_958 : vector<32x1xf32>
    %round3A_960 = math.roundeven %mul3A_959 : vector<32x1xf32>
    %convert_element_type3A_961 = arith.fptosi %round3A_960 : vector<32x1xf32> to vector<32x1xi32>
    %jit3A_962 = arith.constant 0 : i32
    %jit3A_963 = arith.constant 1023 : i32
    %max3A_964 = vector.broadcast %jit3A_962 : i32 to vector<32x1xi32>
    %max3A_965 = arith.maxsi %max3A_964, %convert_element_type3A_961 : vector<32x1xi32>
    %min3A_966 = vector.broadcast %jit3A_963 : i32 to vector<32x1xi32>
    %min3A_967 = arith.minsi %min3A_966, %max3A_965 : vector<32x1xi32>
    %swap3A_968 = arith.constant 0 : index
    %swap3A_969 = arith.constant 25 : index
    %swap3A_970 = vector.load %arg1[%swap3A_968, %swap3A_969] : memref<32x32xf32, #tpu.memory_space<vmem>>, vector<32x1xf32>
    tpu.vector_store %arg1[%swap3A_968, %swap3A_969], %div3A_956 {strides = array<i32>} : memref<32x32xf32, #tpu.memory_space<vmem>>, vector<32x1xf32>,
    %add3A_971 = arith.addi %min3A_967, %mul3A_4 : vector<32x1xi32>
    %swap3A_972 = arith.constant 0 : index
    %swap3A_973 = arith.constant 25 : index
    %swap3A_974 = vector.load %arg2[%swap3A_972, %swap3A_973] : memref<32x32xi32, #tpu.memory_space<vmem>>, vector<32x1xi32>
    tpu.vector_store %arg2[%swap3A_972, %swap3A_973], %add3A_971 {strides = array<i32>} : memref<32x32xi32, #tpu.memory_space<vmem>>, vector<32x1xi32>,
    %eq3A_975 = vector.broadcast %broadcast_in_dim3A_952 : vector<32x1xi32> to vector<32x1024xi32>
    %eq3A_976 = arith.cmpi eq, %iota3A, %eq3A_975 : vector<32x1024xi32>
    %jit3A_977 = arith.constant 0xFF800000 : f32
    %broadcast_in_dim3A_978 = vector.broadcast %jit3A_977 : f32 to vector<32x1024xf32>
    %select_n3A_979 = arith.select %eq3A_976, %broadcast_in_dim3A_978, %select_n3A_941 : vector<32x1024xi1>, vector<32x1024xf32>
    %reduce_max3A_980 = arith.constant dense<0xFF800000> : vector<32xf32>
    %reduce_max3A_981 = vector.multi_reduction <maximumf>, %select_n3A_979, %reduce_max3A_980 [1] : vector<32x1024xf32> to vector<32xf32>
    %broadcast_in_dim3A_982 = vector.shape_cast %reduce_max3A_981 : vector<32xf32> to vector<32x1xf32>
    %eq3A_983 = vector.broadcast %broadcast_in_dim3A_982 : vector<32x1xf32> to vector<32x1024xf32>
    %eq3A_984 = arith.cmpf oeq, %select_n3A_979, %eq3A_983 : vector<32x1024xf32>
    %jit3A_985 = arith.constant 1024 : i32
    %broadcast_in_dim3A_986 = vector.broadcast %jit3A_985 : i32 to vector<32x1024xi32>
    %select_n3A_987 = arith.select %eq3A_984, %iota3A, %broadcast_in_dim3A_986 : vector<32x1024xi1>, vector<32x1024xi32>
    %reduce_min3A_988 = arith.constant dense<2147483647> : vector<32xi32>
    %reduce_min3A_989 = vector.multi_reduction <minsi>, %select_n3A_987, %reduce_min3A_988 [1] : vector<32x1024xi32> to vector<32xi32>
    %broadcast_in_dim3A_990 = vector.shape_cast %reduce_min3A_989 : vector<32xi32> to vector<32x1xi32>
    %convert_element_type3A_991 = arith.sitofp %broadcast_in_dim3A_990 : vector<32x1xi32> to vector<32x1xf32>
    %div3A_992 = arith.constant 1.024000e+03 : f32
    %div3A_993 = vector.broadcast %div3A_992 : f32 to vector<32x1xf32>
    %div3A_994 = arith.divf %convert_element_type3A_991, %div3A_993 : vector<32x1xf32>
    %mul3A_995 = arith.constant 1.023000e+03 : f32
    %mul3A_996 = vector.broadcast %mul3A_995 : f32 to vector<32x1xf32>
    %mul3A_997 = arith.mulf %div3A_994, %mul3A_996 : vector<32x1xf32>
    %round3A_998 = math.roundeven %mul3A_997 : vector<32x1xf32>
    %convert_element_type3A_999 = arith.fptosi %round3A_998 : vector<32x1xf32> to vector<32x1xi32>
    %jit3A_1000 = arith.constant 0 : i32
    %jit3A_1001 = arith.constant 1023 : i32
    %max3A_1002 = vector.broadcast %jit3A_1000 : i32 to vector<32x1xi32>
    %max3A_1003 = arith.maxsi %max3A_1002, %convert_element_type3A_999 : vector<32x1xi32>
    %min3A_1004 = vector.broadcast %jit3A_1001 : i32 to vector<32x1xi32>
    %min3A_1005 = arith.minsi %min3A_1004, %max3A_1003 : vector<32x1xi32>
    %swap3A_1006 = arith.constant 0 : index
    %swap3A_1007 = arith.constant 26 : index
    %swap3A_1008 = vector.load %arg1[%swap3A_1006, %swap3A_1007] : memref<32x32xf32, #tpu.memory_space<vmem>>, vector<32x1xf32>
    tpu.vector_store %arg1[%swap3A_1006, %swap3A_1007], %div3A_994 {strides = array<i32>} : memref<32x32xf32, #tpu.memory_space<vmem>>, vector<32x1xf32>,
    %add3A_1009 = arith.addi %min3A_1005, %mul3A_4 : vector<32x1xi32>
    %swap3A_1010 = arith.constant 0 : index
    %swap3A_1011 = arith.constant 26 : index
    %swap3A_1012 = vector.load %arg2[%swap3A_1010, %swap3A_1011] : memref<32x32xi32, #tpu.memory_space<vmem>>, vector<32x1xi32>
    tpu.vector_store %arg2[%swap3A_1010, %swap3A_1011], %add3A_1009 {strides = array<i32>} : memref<32x32xi32, #tpu.memory_space<vmem>>, vector<32x1xi32>,
    %eq3A_1013 = vector.broadcast %broadcast_in_dim3A_990 : vector<32x1xi32> to vector<32x1024xi32>
    %eq3A_1014 = arith.cmpi eq, %iota3A, %eq3A_1013 : vector<32x1024xi32>
    %jit3A_1015 = arith.constant 0xFF800000 : f32
    %broadcast_in_dim3A_1016 = vector.broadcast %jit3A_1015 : f32 to vector<32x1024xf32>
    %select_n3A_1017 = arith.select %eq3A_1014, %broadcast_in_dim3A_1016, %select_n3A_979 : vector<32x1024xi1>, vector<32x1024xf32>
    %reduce_max3A_1018 = arith.constant dense<0xFF800000> : vector<32xf32>
    %reduce_max3A_1019 = vector.multi_reduction <maximumf>, %select_n3A_1017, %reduce_max3A_1018 [1] : vector<32x1024xf32> to vector<32xf32>
    %broadcast_in_dim3A_1020 = vector.shape_cast %reduce_max3A_1019 : vector<32xf32> to vector<32x1xf32>
    %eq3A_1021 = vector.broadcast %broadcast_in_dim3A_1020 : vector<32x1xf32> to vector<32x1024xf32>
    %eq3A_1022 = arith.cmpf oeq, %select_n3A_1017, %eq3A_1021 : vector<32x1024xf32>
    %jit3A_1023 = arith.constant 1024 : i32
    %broadcast_in_dim3A_1024 = vector.broadcast %jit3A_1023 : i32 to vector<32x1024xi32>
    %select_n3A_1025 = arith.select %eq3A_1022, %iota3A, %broadcast_in_dim3A_1024 : vector<32x1024xi1>, vector<32x1024xi32>
    %reduce_min3A_1026 = arith.constant dense<2147483647> : vector<32xi32>
    %reduce_min3A_1027 = vector.multi_reduction <minsi>, %select_n3A_1025, %reduce_min3A_1026 [1] : vector<32x1024xi32> to vector<32xi32>
    %broadcast_in_dim3A_1028 = vector.shape_cast %reduce_min3A_1027 : vector<32xi32> to vector<32x1xi32>
    %convert_element_type3A_1029 = arith.sitofp %broadcast_in_dim3A_1028 : vector<32x1xi32> to vector<32x1xf32>
    %div3A_1030 = arith.constant 1.024000e+03 : f32
    %div3A_1031 = vector.broadcast %div3A_1030 : f32 to vector<32x1xf32>
    %div3A_1032 = arith.divf %convert_element_type3A_1029, %div3A_1031 : vector<32x1xf32>
    %mul3A_1033 = arith.constant 1.023000e+03 : f32
    %mul3A_1034 = vector.broadcast %mul3A_1033 : f32 to vector<32x1xf32>
    %mul3A_1035 = arith.mulf %div3A_1032, %mul3A_1034 : vector<32x1xf32>
    %round3A_1036 = math.roundeven %mul3A_1035 : vector<32x1xf32>
    %convert_element_type3A_1037 = arith.fptosi %round3A_1036 : vector<32x1xf32> to vector<32x1xi32>
    %jit3A_1038 = arith.constant 0 : i32
    %jit3A_1039 = arith.constant 1023 : i32
    %max3A_1040 = vector.broadcast %jit3A_1038 : i32 to vector<32x1xi32>
    %max3A_1041 = arith.maxsi %max3A_1040, %convert_element_type3A_1037 : vector<32x1xi32>
    %min3A_1042 = vector.broadcast %jit3A_1039 : i32 to vector<32x1xi32>
    %min3A_1043 = arith.minsi %min3A_1042, %max3A_1041 : vector<32x1xi32>
    %swap3A_1044 = arith.constant 0 : index
    %swap3A_1045 = arith.constant 27 : index
    %swap3A_1046 = vector.load %arg1[%swap3A_1044, %swap3A_1045] : memref<32x32xf32, #tpu.memory_space<vmem>>, vector<32x1xf32>
    tpu.vector_store %arg1[%swap3A_1044, %swap3A_1045], %div3A_1032 {strides = array<i32>} : memref<32x32xf32, #tpu.memory_space<vmem>>, vector<32x1xf32>,
    %add3A_1047 = arith.addi %min3A_1043, %mul3A_4 : vector<32x1xi32>
    %swap3A_1048 = arith.constant 0 : index
    %swap3A_1049 = arith.constant 27 : index
    %swap3A_1050 = vector.load %arg2[%swap3A_1048, %swap3A_1049] : memref<32x32xi32, #tpu.memory_space<vmem>>, vector<32x1xi32>
    tpu.vector_store %arg2[%swap3A_1048, %swap3A_1049], %add3A_1047 {strides = array<i32>} : memref<32x32xi32, #tpu.memory_space<vmem>>, vector<32x1xi32>,
    %eq3A_1051 = vector.broadcast %broadcast_in_dim3A_1028 : vector<32x1xi32> to vector<32x1024xi32>
    %eq3A_1052 = arith.cmpi eq, %iota3A, %eq3A_1051 : vector<32x1024xi32>
    %jit3A_1053 = arith.constant 0xFF800000 : f32
    %broadcast_in_dim3A_1054 = vector.broadcast %jit3A_1053 : f32 to vector<32x1024xf32>
    %select_n3A_1055 = arith.select %eq3A_1052, %broadcast_in_dim3A_1054, %select_n3A_1017 : vector<32x1024xi1>, vector<32x1024xf32>
    %reduce_max3A_1056 = arith.constant dense<0xFF800000> : vector<32xf32>
    %reduce_max3A_1057 = vector.multi_reduction <maximumf>, %select_n3A_1055, %reduce_max3A_1056 [1] : vector<32x1024xf32> to vector<32xf32>
    %broadcast_in_dim3A_1058 = vector.shape_cast %reduce_max3A_1057 : vector<32xf32> to vector<32x1xf32>
    %eq3A_1059 = vector.broadcast %broadcast_in_dim3A_1058 : vector<32x1xf32> to vector<32x1024xf32>
    %eq3A_1060 = arith.cmpf oeq, %select_n3A_1055, %eq3A_1059 : vector<32x1024xf32>
    %jit3A_1061 = arith.constant 1024 : i32
    %broadcast_in_dim3A_1062 = vector.broadcast %jit3A_1061 : i32 to vector<32x1024xi32>
    %select_n3A_1063 = arith.select %eq3A_1060, %iota3A, %broadcast_in_dim3A_1062 : vector<32x1024xi1>, vector<32x1024xi32>
    %reduce_min3A_1064 = arith.constant dense<2147483647> : vector<32xi32>
    %reduce_min3A_1065 = vector.multi_reduction <minsi>, %select_n3A_1063, %reduce_min3A_1064 [1] : vector<32x1024xi32> to vector<32xi32>
    %broadcast_in_dim3A_1066 = vector.shape_cast %reduce_min3A_1065 : vector<32xi32> to vector<32x1xi32>
    %convert_element_type3A_1067 = arith.sitofp %broadcast_in_dim3A_1066 : vector<32x1xi32> to vector<32x1xf32>
    %div3A_1068 = arith.constant 1.024000e+03 : f32
    %div3A_1069 = vector.broadcast %div3A_1068 : f32 to vector<32x1xf32>
    %div3A_1070 = arith.divf %convert_element_type3A_1067, %div3A_1069 : vector<32x1xf32>
    %mul3A_1071 = arith.constant 1.023000e+03 : f32
    %mul3A_1072 = vector.broadcast %mul3A_1071 : f32 to vector<32x1xf32>
    %mul3A_1073 = arith.mulf %div3A_1070, %mul3A_1072 : vector<32x1xf32>
    %round3A_1074 = math.roundeven %mul3A_1073 : vector<32x1xf32>
    %convert_element_type3A_1075 = arith.fptosi %round3A_1074 : vector<32x1xf32> to vector<32x1xi32>
    %jit3A_1076 = arith.constant 0 : i32
    %jit3A_1077 = arith.constant 1023 : i32
    %max3A_1078 = vector.broadcast %jit3A_1076 : i32 to vector<32x1xi32>
    %max3A_1079 = arith.maxsi %max3A_1078, %convert_element_type3A_1075 : vector<32x1xi32>
    %min3A_1080 = vector.broadcast %jit3A_1077 : i32 to vector<32x1xi32>
    %min3A_1081 = arith.minsi %min3A_1080, %max3A_1079 : vector<32x1xi32>
    %swap3A_1082 = arith.constant 0 : index
    %swap3A_1083 = arith.constant 28 : index
    %swap3A_1084 = vector.load %arg1[%swap3A_1082, %swap3A_1083] : memref<32x32xf32, #tpu.memory_space<vmem>>, vector<32x1xf32>
    tpu.vector_store %arg1[%swap3A_1082, %swap3A_1083], %div3A_1070 {strides = array<i32>} : memref<32x32xf32, #tpu.memory_space<vmem>>, vector<32x1xf32>,
    %add3A_1085 = arith.addi %min3A_1081, %mul3A_4 : vector<32x1xi32>
    %swap3A_1086 = arith.constant 0 : index
    %swap3A_1087 = arith.constant 28 : index
    %swap3A_1088 = vector.load %arg2[%swap3A_1086, %swap3A_1087] : memref<32x32xi32, #tpu.memory_space<vmem>>, vector<32x1xi32>
    tpu.vector_store %arg2[%swap3A_1086, %swap3A_1087], %add3A_1085 {strides = array<i32>} : memref<32x32xi32, #tpu.memory_space<vmem>>, vector<32x1xi32>,
    %eq3A_1089 = vector.broadcast %broadcast_in_dim3A_1066 : vector<32x1xi32> to vector<32x1024xi32>
    %eq3A_1090 = arith.cmpi eq, %iota3A, %eq3A_1089 : vector<32x1024xi32>
    %jit3A_1091 = arith.constant 0xFF800000 : f32
    %broadcast_in_dim3A_1092 = vector.broadcast %jit3A_1091 : f32 to vector<32x1024xf32>
    %select_n3A_1093 = arith.select %eq3A_1090, %broadcast_in_dim3A_1092, %select_n3A_1055 : vector<32x1024xi1>, vector<32x1024xf32>
    %reduce_max3A_1094 = arith.constant dense<0xFF800000> : vector<32xf32>
    %reduce_max3A_1095 = vector.multi_reduction <maximumf>, %select_n3A_1093, %reduce_max3A_1094 [1] : vector<32x1024xf32> to vector<32xf32>
    %broadcast_in_dim3A_1096 = vector.shape_cast %reduce_max3A_1095 : vector<32xf32> to vector<32x1xf32>
    %eq3A_1097 = vector.broadcast %broadcast_in_dim3A_1096 : vector<32x1xf32> to vector<32x1024xf32>
    %eq3A_1098 = arith.cmpf oeq, %select_n3A_1093, %eq3A_1097 : vector<32x1024xf32>
    %jit3A_1099 = arith.constant 1024 : i32
    %broadcast_in_dim3A_1100 = vector.broadcast %jit3A_1099 : i32 to vector<32x1024xi32>
    %select_n3A_1101 = arith.select %eq3A_1098, %iota3A, %broadcast_in_dim3A_1100 : vector<32x1024xi1>, vector<32x1024xi32>
    %reduce_min3A_1102 = arith.constant dense<2147483647> : vector<32xi32>
    %reduce_min3A_1103 = vector.multi_reduction <minsi>, %select_n3A_1101, %reduce_min3A_1102 [1] : vector<32x1024xi32> to vector<32xi32>
    %broadcast_in_dim3A_1104 = vector.shape_cast %reduce_min3A_1103 : vector<32xi32> to vector<32x1xi32>
    %convert_element_type3A_1105 = arith.sitofp %broadcast_in_dim3A_1104 : vector<32x1xi32> to vector<32x1xf32>
    %div3A_1106 = arith.constant 1.024000e+03 : f32
    %div3A_1107 = vector.broadcast %div3A_1106 : f32 to vector<32x1xf32>
    %div3A_1108 = arith.divf %convert_element_type3A_1105, %div3A_1107 : vector<32x1xf32>
    %mul3A_1109 = arith.constant 1.023000e+03 : f32
    %mul3A_1110 = vector.broadcast %mul3A_1109 : f32 to vector<32x1xf32>
    %mul3A_1111 = arith.mulf %div3A_1108, %mul3A_1110 : vector<32x1xf32>
    %round3A_1112 = math.roundeven %mul3A_1111 : vector<32x1xf32>
    %convert_element_type3A_1113 = arith.fptosi %round3A_1112 : vector<32x1xf32> to vector<32x1xi32>
    %jit3A_1114 = arith.constant 0 : i32
    %jit3A_1115 = arith.constant 1023 : i32
    %max3A_1116 = vector.broadcast %jit3A_1114 : i32 to vector<32x1xi32>
    %max3A_1117 = arith.maxsi %max3A_1116, %convert_element_type3A_1113 : vector<32x1xi32>
    %min3A_1118 = vector.broadcast %jit3A_1115 : i32 to vector<32x1xi32>
    %min3A_1119 = arith.minsi %min3A_1118, %max3A_1117 : vector<32x1xi32>
    %swap3A_1120 = arith.constant 0 : index
    %swap3A_1121 = arith.constant 29 : index
    %swap3A_1122 = vector.load %arg1[%swap3A_1120, %swap3A_1121] : memref<32x32xf32, #tpu.memory_space<vmem>>, vector<32x1xf32>
    tpu.vector_store %arg1[%swap3A_1120, %swap3A_1121], %div3A_1108 {strides = array<i32>} : memref<32x32xf32, #tpu.memory_space<vmem>>, vector<32x1xf32>,
    %add3A_1123 = arith.addi %min3A_1119, %mul3A_4 : vector<32x1xi32>
    %swap3A_1124 = arith.constant 0 : index
    %swap3A_1125 = arith.constant 29 : index
    %swap3A_1126 = vector.load %arg2[%swap3A_1124, %swap3A_1125] : memref<32x32xi32, #tpu.memory_space<vmem>>, vector<32x1xi32>
    tpu.vector_store %arg2[%swap3A_1124, %swap3A_1125], %add3A_1123 {strides = array<i32>} : memref<32x32xi32, #tpu.memory_space<vmem>>, vector<32x1xi32>,
    %eq3A_1127 = vector.broadcast %broadcast_in_dim3A_1104 : vector<32x1xi32> to vector<32x1024xi32>
    %eq3A_1128 = arith.cmpi eq, %iota3A, %eq3A_1127 : vector<32x1024xi32>
    %jit3A_1129 = arith.constant 0xFF800000 : f32
    %broadcast_in_dim3A_1130 = vector.broadcast %jit3A_1129 : f32 to vector<32x1024xf32>
    %select_n3A_1131 = arith.select %eq3A_1128, %broadcast_in_dim3A_1130, %select_n3A_1093 : vector<32x1024xi1>, vector<32x1024xf32>
    %reduce_max3A_1132 = arith.constant dense<0xFF800000> : vector<32xf32>
    %reduce_max3A_1133 = vector.multi_reduction <maximumf>, %select_n3A_1131, %reduce_max3A_1132 [1] : vector<32x1024xf32> to vector<32xf32>
    %broadcast_in_dim3A_1134 = vector.shape_cast %reduce_max3A_1133 : vector<32xf32> to vector<32x1xf32>
    %eq3A_1135 = vector.broadcast %broadcast_in_dim3A_1134 : vector<32x1xf32> to vector<32x1024xf32>
    %eq3A_1136 = arith.cmpf oeq, %select_n3A_1131, %eq3A_1135 : vector<32x1024xf32>
    %jit3A_1137 = arith.constant 1024 : i32
    %broadcast_in_dim3A_1138 = vector.broadcast %jit3A_1137 : i32 to vector<32x1024xi32>
    %select_n3A_1139 = arith.select %eq3A_1136, %iota3A, %broadcast_in_dim3A_1138 : vector<32x1024xi1>, vector<32x1024xi32>
    %reduce_min3A_1140 = arith.constant dense<2147483647> : vector<32xi32>
    %reduce_min3A_1141 = vector.multi_reduction <minsi>, %select_n3A_1139, %reduce_min3A_1140 [1] : vector<32x1024xi32> to vector<32xi32>
    %broadcast_in_dim3A_1142 = vector.shape_cast %reduce_min3A_1141 : vector<32xi32> to vector<32x1xi32>
    %convert_element_type3A_1143 = arith.sitofp %broadcast_in_dim3A_1142 : vector<32x1xi32> to vector<32x1xf32>
    %div3A_1144 = arith.constant 1.024000e+03 : f32
    %div3A_1145 = vector.broadcast %div3A_1144 : f32 to vector<32x1xf32>
    %div3A_1146 = arith.divf %convert_element_type3A_1143, %div3A_1145 : vector<32x1xf32>
    %mul3A_1147 = arith.constant 1.023000e+03 : f32
    %mul3A_1148 = vector.broadcast %mul3A_1147 : f32 to vector<32x1xf32>
    %mul3A_1149 = arith.mulf %div3A_1146, %mul3A_1148 : vector<32x1xf32>
    %round3A_1150 = math.roundeven %mul3A_1149 : vector<32x1xf32>
    %convert_element_type3A_1151 = arith.fptosi %round3A_1150 : vector<32x1xf32> to vector<32x1xi32>
    %jit3A_1152 = arith.constant 0 : i32
    %jit3A_1153 = arith.constant 1023 : i32
    %max3A_1154 = vector.broadcast %jit3A_1152 : i32 to vector<32x1xi32>
    %max3A_1155 = arith.maxsi %max3A_1154, %convert_element_type3A_1151 : vector<32x1xi32>
    %min3A_1156 = vector.broadcast %jit3A_1153 : i32 to vector<32x1xi32>
    %min3A_1157 = arith.minsi %min3A_1156, %max3A_1155 : vector<32x1xi32>
    %swap3A_1158 = arith.constant 0 : index
    %swap3A_1159 = arith.constant 30 : index
    %swap3A_1160 = vector.load %arg1[%swap3A_1158, %swap3A_1159] : memref<32x32xf32, #tpu.memory_space<vmem>>, vector<32x1xf32>
    tpu.vector_store %arg1[%swap3A_1158, %swap3A_1159], %div3A_1146 {strides = array<i32>} : memref<32x32xf32, #tpu.memory_space<vmem>>, vector<32x1xf32>,
    %add3A_1161 = arith.addi %min3A_1157, %mul3A_4 : vector<32x1xi32>
    %swap3A_1162 = arith.constant 0 : index
    %swap3A_1163 = arith.constant 30 : index
    %swap3A_1164 = vector.load %arg2[%swap3A_1162, %swap3A_1163] : memref<32x32xi32, #tpu.memory_space<vmem>>, vector<32x1xi32>
    tpu.vector_store %arg2[%swap3A_1162, %swap3A_1163], %add3A_1161 {strides = array<i32>} : memref<32x32xi32, #tpu.memory_space<vmem>>, vector<32x1xi32>,
    %eq3A_1165 = vector.broadcast %broadcast_in_dim3A_1142 : vector<32x1xi32> to vector<32x1024xi32>
    %eq3A_1166 = arith.cmpi eq, %iota3A, %eq3A_1165 : vector<32x1024xi32>
    %jit3A_1167 = arith.constant 0xFF800000 : f32
    %broadcast_in_dim3A_1168 = vector.broadcast %jit3A_1167 : f32 to vector<32x1024xf32>
    %select_n3A_1169 = arith.select %eq3A_1166, %broadcast_in_dim3A_1168, %select_n3A_1131 : vector<32x1024xi1>, vector<32x1024xf32>
    %reduce_max3A_1170 = arith.constant dense<0xFF800000> : vector<32xf32>
    %reduce_max3A_1171 = vector.multi_reduction <maximumf>, %select_n3A_1169, %reduce_max3A_1170 [1] : vector<32x1024xf32> to vector<32xf32>
    %broadcast_in_dim3A_1172 = vector.shape_cast %reduce_max3A_1171 : vector<32xf32> to vector<32x1xf32>
    %eq3A_1173 = vector.broadcast %broadcast_in_dim3A_1172 : vector<32x1xf32> to vector<32x1024xf32>
    %eq3A_1174 = arith.cmpf oeq, %select_n3A_1169, %eq3A_1173 : vector<32x1024xf32>
    %jit3A_1175 = arith.constant 1024 : i32
    %broadcast_in_dim3A_1176 = vector.broadcast %jit3A_1175 : i32 to vector<32x1024xi32>
    %select_n3A_1177 = arith.select %eq3A_1174, %iota3A, %broadcast_in_dim3A_1176 : vector<32x1024xi1>, vector<32x1024xi32>
    %reduce_min3A_1178 = arith.constant dense<2147483647> : vector<32xi32>
    %reduce_min3A_1179 = vector.multi_reduction <minsi>, %select_n3A_1177, %reduce_min3A_1178 [1] : vector<32x1024xi32> to vector<32xi32>
    %broadcast_in_dim3A_1180 = vector.shape_cast %reduce_min3A_1179 : vector<32xi32> to vector<32x1xi32>
    %convert_element_type3A_1181 = arith.sitofp %broadcast_in_dim3A_1180 : vector<32x1xi32> to vector<32x1xf32>
    %div3A_1182 = arith.constant 1.024000e+03 : f32
    %div3A_1183 = vector.broadcast %div3A_1182 : f32 to vector<32x1xf32>
    %div3A_1184 = arith.divf %convert_element_type3A_1181, %div3A_1183 : vector<32x1xf32>
    %mul3A_1185 = arith.constant 1.023000e+03 : f32
    %mul3A_1186 = vector.broadcast %mul3A_1185 : f32 to vector<32x1xf32>
    %mul3A_1187 = arith.mulf %div3A_1184, %mul3A_1186 : vector<32x1xf32>
    %round3A_1188 = math.roundeven %mul3A_1187 : vector<32x1xf32>
    %convert_element_type3A_1189 = arith.fptosi %round3A_1188 : vector<32x1xf32> to vector<32x1xi32>
    %jit3A_1190 = arith.constant 0 : i32
    %jit3A_1191 = arith.constant 1023 : i32
    %max3A_1192 = vector.broadcast %jit3A_1190 : i32 to vector<32x1xi32>
    %max3A_1193 = arith.maxsi %max3A_1192, %convert_element_type3A_1189 : vector<32x1xi32>
    %min3A_1194 = vector.broadcast %jit3A_1191 : i32 to vector<32x1xi32>
    %min3A_1195 = arith.minsi %min3A_1194, %max3A_1193 : vector<32x1xi32>
    %swap3A_1196 = arith.constant 0 : index
    %swap3A_1197 = arith.constant 31 : index
    %swap3A_1198 = vector.load %arg1[%swap3A_1196, %swap3A_1197] : memref<32x32xf32, #tpu.memory_space<vmem>>, vector<32x1xf32>
    tpu.vector_store %arg1[%swap3A_1196, %swap3A_1197], %div3A_1184 {strides = array<i32>} : memref<32x32xf32, #tpu.memory_space<vmem>>, vector<32x1xf32>,
    %add3A_1199 = arith.addi %min3A_1195, %mul3A_4 : vector<32x1xi32>
    %swap3A_1200 = arith.constant 0 : index
    %swap3A_1201 = arith.constant 31 : index
    %swap3A_1202 = vector.load %arg2[%swap3A_1200, %swap3A_1201] : memref<32x32xi32, #tpu.memory_space<vmem>>, vector<32x1xi32>
    tpu.vector_store %arg2[%swap3A_1200, %swap3A_1201], %add3A_1199 {strides = array<i32>} : memref<32x32xi32, #tpu.memory_space<vmem>>, vector<32x1xi32>,
    return
  }
}

module attributes {stable_mosaic.version = 14 : i64} {
  func.func @_head_body(%arg0: memref<1024x1024xf32, #tpu.memory_space<vmem>>, %arg1: memref<32x1024xf32, #tpu.memory_space<vmem>>, %arg2: memref<1024x1024xf32, #tpu.memory_space<vmem>>, %arg3: memref<1x1024xf32, #tpu.memory_space<vmem>>, %arg4: memref<1024x2xf32, #tpu.memory_space<vmem>>, %arg5: memref<1x2xf32, #tpu.memory_space<vmem>>, %arg6: memref<1024x1xf32, #tpu.memory_space<vmem>>, %arg7: memref<1x1xf32, #tpu.memory_space<vmem>>, %arg8: memref<1024x1xf32, #tpu.memory_space<vmem>>, %arg9: memref<1024x3xf32, #tpu.memory_space<vmem>>) attributes {dimension_semantics = [], scalar_prefetch = 0 : i64, scratch_operands = 0 : i64, tpu.core_type = #tpu.core_type<tc>} {
    %iota3A = tpu.iota {dimensions = array<i32: 0>} : vector<1024x32xi32>
    %iota3A_0 = tpu.iota {dimensions = array<i32: 1>} : vector<1024x32xi32>
    %jit3A = arith.constant 32 : i32
    %div3A = vector.broadcast %jit3A : i32 to vector<1024x32xi32>
    %div3A_1 = arith.divsi %iota3A, %div3A : vector<1024x32xi32>
    %sign3A = arith.constant 0 : i32
    %sign3A_2 = vector.broadcast %sign3A : i32 to vector<1024x32xi32>
    %sign3A_3 = arith.cmpi sgt, %iota3A, %sign3A_2 : vector<1024x32xi32>
    %sign3A_4 = arith.extui %sign3A_3 : vector<1024x32xi1> to vector<1024x32xi32>
    %sign3A_5 = arith.constant 0 : i32
    %sign3A_6 = vector.broadcast %sign3A_5 : i32 to vector<1024x32xi32>
    %sign3A_7 = arith.cmpi slt, %iota3A, %sign3A_6 : vector<1024x32xi32>
    %sign3A_8 = arith.extui %sign3A_7 : vector<1024x32xi1> to vector<1024x32xi32>
    %sign3A_9 = arith.subi %sign3A_4, %sign3A_8 : vector<1024x32xi32>
    %sign3A_10 = arith.constant 0 : i32
    %sign3A_11 = arith.cmpi sgt, %jit3A, %sign3A_10 : i32
    %sign3A_12 = arith.extui %sign3A_11 : i1 to i32
    %sign3A_13 = arith.constant 0 : i32
    %sign3A_14 = arith.cmpi slt, %jit3A, %sign3A_13 : i32
    %sign3A_15 = arith.extui %sign3A_14 : i1 to i32
    %sign3A_16 = arith.subi %sign3A_12, %sign3A_15 : i32
    %ne3A = vector.broadcast %sign3A_16 : i32 to vector<1024x32xi32>
    %ne3A_17 = arith.cmpi ne, %sign3A_9, %ne3A : vector<1024x32xi32>
    %rem3A = vector.broadcast %jit3A : i32 to vector<1024x32xi32>
    %rem3A_18 = arith.remsi %iota3A, %rem3A : vector<1024x32xi32>
    %ne3A_19 = arith.constant 0 : i32
    %ne3A_20 = vector.broadcast %ne3A_19 : i32 to vector<1024x32xi32>
    %ne3A_21 = arith.cmpi ne, %rem3A_18, %ne3A_20 : vector<1024x32xi32>
    %and3A = arith.andi %ne3A_17, %ne3A_21 : vector<1024x32xi1>
    %sub3A = arith.constant 1 : i32
    %sub3A_22 = vector.broadcast %sub3A : i32 to vector<1024x32xi32>
    %sub3A_23 = arith.subi %div3A_1, %sub3A_22 : vector<1024x32xi32>
    %select_n3A = arith.select %and3A, %sub3A_23, %div3A_1 : vector<1024x32xi1>, vector<1024x32xi32>
    %eq3A = arith.cmpi eq, %select_n3A, %iota3A_0 : vector<1024x32xi32>
    %convert_element_type3A = arith.extui %eq3A : vector<1024x32xi1> to vector<1024x32xi32>
    %convert_element_type3A_24 = arith.sitofp %convert_element_type3A : vector<1024x32xi32> to vector<1024x32xf32>
    %get3A = arith.constant 0 : index
    %get3A_25 = arith.constant 0 : index
    %get3A_26 = vector.load %arg1[%get3A, %get3A_25] : memref<32x1024xf32, #tpu.memory_space<vmem>>, vector<32x1024xf32>
    %dot_general3A = arith.constant dense<0.000000e+00> : vector<1024x1024xf32>
    %dot_general3A_27 = tpu.matmul %convert_element_type3A_24, %get3A_26, %dot_general3A {dimension_numbers = #tpu.dot_dimension_numbers<[1], [0], [0], [1], [0, 0, 1, 1], [], []>, precision = #tpu.contract_precision<fp32>, transpose_lhs_hint = false} : vector<1024x32xf32>, vector<32x1024xf32>, vector<1024x1024xf32> -> vector<1024x1024xf32>
    %get3A_28 = arith.constant 0 : index
    %get3A_29 = arith.constant 0 : index
    %get3A_30 = vector.load %arg0[%get3A_28, %get3A_29] : memref<1024x1024xf32, #tpu.memory_space<vmem>>, vector<1024x1024xf32>
    %get3A_31 = arith.constant 0 : index
    %get3A_32 = arith.constant 0 : index
    %get3A_33 = vector.load %arg2[%get3A_31, %get3A_32] : memref<1024x1024xf32, #tpu.memory_space<vmem>>, vector<1024x1024xf32>
    %convert_element_type3A_34 = arith.truncf %get3A_30 : vector<1024x1024xf32> to vector<1024x1024xbf16>
    %convert_element_type3A_35 = arith.truncf %get3A_33 : vector<1024x1024xf32> to vector<1024x1024xbf16>
    %dot_general3A_36 = arith.constant dense<0.000000e+00> : vector<1024x1024xf32>
    %dot_general3A_37 = tpu.matmul %convert_element_type3A_34, %convert_element_type3A_35, %dot_general3A_36 {dimension_numbers = #tpu.dot_dimension_numbers<[1], [0], [0], [1], [0, 0, 1, 1], [], []>, transpose_lhs_hint = false} : vector<1024x1024xbf16>, vector<1024x1024xbf16>, vector<1024x1024xf32> -> vector<1024x1024xf32>
    %get3A_38 = arith.constant 0 : index
    %get3A_39 = arith.constant 0 : index
    %get3A_40 = vector.load %arg3[%get3A_38, %get3A_39] : memref<1x1024xf32, #tpu.memory_space<vmem>>, vector<1x1024xf32>
    %add3A = vector.broadcast %get3A_40 : vector<1x1024xf32> to vector<1024x1024xf32>
    %add3A_41 = arith.addf %dot_general3A_37, %add3A : vector<1024x1024xf32>
    %max3A = arith.constant 0.000000e+00 : f32
    %max3A_42 = vector.broadcast %max3A : f32 to vector<1024x1024xf32>
    %max3A_43 = arith.maximumf %add3A_41, %max3A_42 : vector<1024x1024xf32>
    %add3A_44 = arith.addf %max3A_43, %dot_general3A_27 : vector<1024x1024xf32>
    %get3A_45 = arith.constant 0 : index
    %get3A_46 = arith.constant 0 : index
    %get3A_47 = vector.load %arg4[%get3A_45, %get3A_46] : memref<1024x2xf32, #tpu.memory_space<vmem>>, vector<1024x2xf32>
    %convert_element_type3A_48 = arith.truncf %add3A_44 : vector<1024x1024xf32> to vector<1024x1024xbf16>
    %convert_element_type3A_49 = arith.truncf %get3A_47 : vector<1024x2xf32> to vector<1024x2xbf16>
    %dot_general3A_50 = arith.constant dense<0.000000e+00> : vector<1024x2xf32>
    %dot_general3A_51 = tpu.matmul %convert_element_type3A_48, %convert_element_type3A_49, %dot_general3A_50 {dimension_numbers = #tpu.dot_dimension_numbers<[1], [0], [0], [1], [0, 0, 1, 1], [], []>, transpose_lhs_hint = false} : vector<1024x1024xbf16>, vector<1024x2xbf16>, vector<1024x2xf32> -> vector<1024x2xf32>
    %get3A_52 = arith.constant 0 : index
    %get3A_53 = arith.constant 0 : index
    %get3A_54 = vector.load %arg5[%get3A_52, %get3A_53] : memref<1x2xf32, #tpu.memory_space<vmem>>, vector<1x2xf32>
    %add3A_55 = vector.broadcast %get3A_54 : vector<1x2xf32> to vector<1024x2xf32>
    %add3A_56 = arith.addf %dot_general3A_51, %add3A_55 : vector<1024x2xf32>
    %tanh3A = math.tanh %add3A_56 : vector<1024x2xf32>
    %mul3A = arith.constant 5.000000e-01 : f32
    %mul3A_57 = vector.broadcast %mul3A : f32 to vector<1024x2xf32>
    %mul3A_58 = arith.mulf %tanh3A, %mul3A_57 : vector<1024x2xf32>
    %get3A_59 = arith.constant 0 : index
    %get3A_60 = arith.constant 0 : index
    %get3A_61 = vector.load %arg6[%get3A_59, %get3A_60] : memref<1024x1xf32, #tpu.memory_space<vmem>>, vector<1024x1xf32>
    %convert_element_type3A_62 = arith.truncf %add3A_44 : vector<1024x1024xf32> to vector<1024x1024xbf16>
    %convert_element_type3A_63 = arith.truncf %get3A_61 : vector<1024x1xf32> to vector<1024x1xbf16>
    %dot_general3A_64 = arith.constant dense<0.000000e+00> : vector<1024x1xf32>
    %dot_general3A_65 = tpu.matmul %convert_element_type3A_62, %convert_element_type3A_63, %dot_general3A_64 {dimension_numbers = #tpu.dot_dimension_numbers<[1], [0], [0], [1], [0, 0, 1, 1], [], []>, transpose_lhs_hint = false} : vector<1024x1024xbf16>, vector<1024x1xbf16>, vector<1024x1xf32> -> vector<1024x1xf32>
    %get3A_66 = arith.constant 0 : index
    %get3A_67 = arith.constant 0 : index
    %get3A_68 = vector.load %arg7[%get3A_66, %get3A_67] : memref<1x1xf32, #tpu.memory_space<vmem>>, vector<1x1xf32>
    %add3A_69 = vector.broadcast %get3A_68 : vector<1x1xf32> to vector<1024x1xf32>
    %add3A_70 = arith.addf %dot_general3A_65, %add3A_69 : vector<1024x1xf32>
    %get3A_71 = arith.constant 0 : index
    %get3A_72 = arith.constant 0 : index
    %get3A_73 = vector.load %arg8[%get3A_71, %get3A_72] : memref<1024x1xf32, #tpu.memory_space<vmem>>, vector<1024x1xf32>
    %sub3A_74 = arith.constant 5.000000e-02 : f32
    %sub3A_75 = vector.broadcast %sub3A_74 : f32 to vector<1024x1xf32>
    %sub3A_76 = arith.subf %get3A_73, %sub3A_75 : vector<1024x1xf32>
    %slice3A = vector.extract_strided_slice %mul3A_58 {offsets = [0, 0], sizes = [1024, 1], strides = [1, 1]} : vector<1024x2xf32> to vector<1024x1xf32>
    %add3A_77 = arith.addf %sub3A_76, %slice3A : vector<1024x1xf32>
    %jit3A_78 = arith.constant 0.000000e+00 : f32
    %jit3A_79 = arith.constant 1.000000e+00 : f32
    %max3A_80 = vector.broadcast %jit3A_78 : f32 to vector<1024x1xf32>
    %max3A_81 = arith.maximumf %max3A_80, %add3A_77 : vector<1024x1xf32>
    %min3A = vector.broadcast %jit3A_79 : f32 to vector<1024x1xf32>
    %min3A_82 = arith.minimumf %min3A, %max3A_81 : vector<1024x1xf32>
    %add3A_83 = arith.constant 5.000000e-02 : f32
    %add3A_84 = vector.broadcast %add3A_83 : f32 to vector<1024x1xf32>
    %add3A_85 = arith.addf %get3A_73, %add3A_84 : vector<1024x1xf32>
    %slice3A_86 = vector.extract_strided_slice %mul3A_58 {offsets = [0, 1], sizes = [1024, 1], strides = [1, 1]} : vector<1024x2xf32> to vector<1024x1xf32>
    %add3A_87 = arith.addf %add3A_85, %slice3A_86 : vector<1024x1xf32>
    %jit3A_88 = arith.constant 0.000000e+00 : f32
    %jit3A_89 = arith.constant 1.000000e+00 : f32
    %max3A_90 = vector.broadcast %jit3A_88 : f32 to vector<1024x1xf32>
    %max3A_91 = arith.maximumf %max3A_90, %add3A_87 : vector<1024x1xf32>
    %min3A_92 = vector.broadcast %jit3A_89 : f32 to vector<1024x1xf32>
    %min3A_93 = arith.minimumf %min3A_92, %max3A_91 : vector<1024x1xf32>
    %concatenate3A = tpu.concatenate %min3A_82, %min3A_93, %add3A_70 in 1 : vector<1024x1xf32>, vector<1024x1xf32>, vector<1024x1xf32> -> vector<1024x3xf32>
    %swap3A = arith.constant 0 : index
    %swap3A_94 = arith.constant 0 : index
    %swap3A_95 = vector.load %arg9[%swap3A, %swap3A_94] : memref<1024x3xf32, #tpu.memory_space<vmem>>, vector<1024x3xf32>
    tpu.vector_store %arg9[%swap3A, %swap3A_94], %concatenate3A {strides = array<i32>} : memref<1024x3xf32, #tpu.memory_space<vmem>>, vector<1024x3xf32>,
    return
  }
}

</mosaic_0001>

<sc_bundles>
// kernel: kernel.6.cloned.1.call-start
scs
__scs_entry_jumppad:
0x0: {  	(pc) =	sbr.rel $0x88, $3  }
0x1: {  	(tag) =	ssettag $0x0;
	lr =	simm.s32 $0x1  }
0x2: {  	[smem:$0x3F90] =	sst lr;
	_ =	strace $0xD0000000  }
0x3: {  	_ = 	snop  }
0x4: {  	_ = 	snop  }
0x5: {  	_ = 	snop  }
0x6: {  	_ = 	snop  }
0x7: {  	_ = 	snop  }
__scs_overlays_trampoline_lowered:
0x8: {  	[smem:$0x3F9F] =	sst s0  }
0x9: {  	[smem:$0x3FA0] =	sst s1  }
0xa: {  	[smem:$0x3FA1] =	sst s2  }
0xb: {  	[smem:$0x3FA2] =	sst s3  }
0xc: {  	[smem:$0x3FA3] =	sst s4  }
0xd: {  	[smem:$0x3FA4] =	sst s5  }
0xe: {  	[smem:$0x3FA5] =	sst s6  }
0xf: {  	[smem:$0x3FA6] =	sst s7  }
0x10: {  	[smem:$0x3FA7] =	sst s8  }
0x11: {  	[smem:$0x3FA8] =	sst s9;
	s0 =	simm.s32 @!p0 $0x0  }
0x12: {  	s1 =	sld [smem:$0x3F8E];
	s0 =	simm.s32 @p0 $0x1  }
0x13: {  	[smem:$0x3FA9] =	sst s0;
	s0 =	simm.s32 @!p1 $0x0  }
0x14: {  	s2 =	sld [smem:$0x3F8D];
	s0 =	simm.s32 @p1 $0x1  }
0x15: {  	[smem:$0x3FAA] =	sst s0;
	s0 =	simm.s32 @!p2 $0x0  }
0x16: {  	s3 =	sld [smem:$0x3FDB];
	s0 =	simm.s32 @p2 $0x1  }
0x17: {  	s4 =	simm.s32 $0x1BF5;
	[smem:$0x3FAC] =	sst s0  }
0x18: {  	s0 =	sld [smem:$0x3F8F];
	_ =	swait.ge [sflag:s4], $0x0  }
0x19: {  	s7 =	sld [smem:$0x3F90]  }
0x1a: {  	s8 =	sadd.s32 $0xFFFFE003, lr  }
0x1b: {  	s9 =	sadd.s32 $0xFFFFFEF7, lr;
	s5 =	simm.s32 $0xFFFFFFFF;
	p2 =	slt.u32 s8, $0xFFFFF086  }
0x1c: {  	p1 =	slt.u32 s9, $0xF7A;
	s5 =	simm.s32 @!p2 $0x0  }
0x1d: {  	s5 =	simm.s32 @p1 $0x1;
	p0 =	seq.s32 s7, s2  }
0x1e: {  	s7 =	smul.u32 @!p0 $0xF7A, s2;
	p2 =	seq.s32 @!p0 s5, $0x0  }
0x1f: {  	s9 =	smul.u32 $0xF7A, s1;
	s8 =	simm.s32 @!p0 $0x1BF5;
	p2 =	por !p2, p0  }
0x20: {  	[sflag:s8] =	ssyncset.s32 @!p0 $0xFFFFF086;
	s6 =	sadd.s32 @!p0 s3, s7;
	s7 =	simm.s32 @!p0 $0x108  }
0x21: {  	s3 =	sadd.s32 s3, s9;
	s6 =	sadd.s32 @!p0 $0x88, s6;
	s7 =	simm.s32 @p2 $0x1082  }
0x22: {  	[simem:s7], [sflag:s8] =	dma.local @!p0 [hbm:s6], $0xF7A  }
0x23: {  	s9 =	sor.u32 $0xD0000000, s2;
	s6 =	simm.s32 $0x108;
	_ =	swait.ge @!p0 [sflag:s8], $0x0  }
0x24: {  	s3 =	sadd.s32 $0x88, s3;
	s6 =	simm.s32 @!p1 $0x1082;
	[sflag:s4] =	ssyncset.s32 $0xFFFFF086  }
0x25: {  	[simem:s6], [sflag:s4] =	dma.local [hbm:s3], $0xF7A  }
0x26: {  	[smem:$0x3F90] =	sst s1;
	(tag) =	ssettag s2;
	_ =	strace s9  }
0x27: {  	s1 =	sld [smem:$0x3FA0]  }
0x28: {  	s2 =	sld [smem:$0x3FA1]  }
0x29: {  	s4 =	sld [smem:$0x3FA3]  }
0x2a: {  	p0 =	seq.s32 s5, $0x0;
	s5 =	sld [smem:$0x3FA4]  }
0x2b: {  	s6 =	sld [smem:$0x3FA5]  }
0x2c: {  	s7 =	sld [smem:$0x3FA6]  }
0x2d: {  	s3 =	simm.s32 $0x108;
	s8 =	sld [smem:$0x3FA7]  }
0x2e: {  	s3 =	simm.s32 @!p0 $0x1082;
	s9 =	sld [smem:$0x3FA8]  }
0x2f: {  	lr =	sadd.s32 s0, s3;
	s0 =	sld [smem:$0x3F9F]  }
0x30: {  	s3 =	sld [smem:$0x3FA2]  }
0x31: {  	[smem:$0x3FAB] =	sst s10  }
0x32: {  	s10 =	sld [smem:$0x3FA9];
	_ =	sdelay $0x3  }
0x33: {  	p0 =	seq.s32 s10, $0x1;
	s10 =	sld [smem:$0x3FAB];
	_ =	sdelay $0x3  }
0x34: {  	[smem:$0x3FAB] =	sst s10  }
0x35: {  	s10 =	sld [smem:$0x3FAA];
	_ =	sdelay $0x3  }
0x36: {  	p1 =	seq.s32 s10, $0x1;
	s10 =	sld [smem:$0x3FAB];
	_ =	sdelay $0x3  }
0x37: {  	[smem:$0x3FAB] =	sst s10  }
0x38: {  	s10 =	sld [smem:$0x3FAC]  }
0x39: {  	_ = 	snop;
	(pc) =	sbr.ind lr, $3  }
0x3a: {  	_ = 	snop  }
0x3b: {  	_ = 	snop  }
0x3c: {  	p2 =	seq.s32 s10, $0x1;
	s10 =	sld [smem:$0x3FAB]  }
0x3d: {  	_ =	shalt  }
0x3e: {  	_ =	shalt  }
0x3f: {  	_ =	shalt  }
0x40: {  	_ =	shalt  }
0x41: {  	_ =	shalt  }
0x42: {  	_ =	shalt  }
0x43: {  	_ =	shalt  }
0x44: {  	_ =	shalt  }
0x45: {  	_ =	shalt  }
0x46: {  	_ =	shalt  }
0x47: {  	_ =	shalt  }
0x48: {  	_ =	shalt  }
0x49: {  	_ =	shalt  }
0x4a: {  	_ =	shalt  }
0x4b: {  	_ =	shalt  }
0x4c: {  	_ =	shalt  }
0x4d: {  	_ =	shalt  }
0x4e: {  	_ =	shalt  }
0x4f: {  	_ =	shalt  }
0x50: {  	_ =	shalt  }
0x51: {  	_ =	shalt  }
0x52: {  	_ =	shalt  }
0x53: {  	_ =	shalt  }
0x54: {  	_ =	shalt  }
0x55: {  	_ =	shalt  }
0x56: {  	_ =	shalt  }
0x57: {  	_ =	shalt  }
0x58: {  	_ =	shalt  }
0x59: {  	_ =	shalt  }
0x5a: {  	_ =	shalt  }
0x5b: {  	_ =	shalt  }
0x5c: {  	_ =	shalt  }
0x5d: {  	_ =	shalt  }
0x5e: {  	_ =	shalt  }
0x5f: {  	_ =	shalt  }
0x60: {  	_ =	shalt  }
0x61: {  	_ =	shalt  }
0x62: {  	_ =	shalt  }
0x63: {  	_ =	shalt  }
0x64: {  	_ =	shalt  }
0x65: {  	_ =	shalt  }
0x66: {  	_ =	shalt  }
0x67: {  	_ =	shalt  }
0x68: {  	_ =	shalt  }
0x69: {  	_ =	shalt  }
0x6a: {  	_ =	shalt  }
0x6b: {  	_ =	shalt  }
0x6c: {  	_ =	shalt  }
0x6d: {  	_ =	shalt  }
0x6e: {  	_ =	shalt  }
0x6f: {  	_ =	shalt  }
0x70: {  	_ =	shalt  }
0x71: {  	_ =	shalt  }
0x72: {  	_ =	shalt  }
0x73: {  	_ =	shalt  }
0x74: {  	_ =	shalt  }
0x75: {  	_ =	shalt  }
0x76: {  	_ =	shalt  }
0x77: {  	_ =	shalt  }
0x78: {  	_ =	shalt  }
0x79: {  	_ =	shalt  }
0x7a: {  	_ =	shalt  }
0x7b: {  	_ =	shalt  }
0x7c: {  	_ =	shalt  }
0x7d: {  	_ =	shalt  }
0x7e: {  	_ =	shalt  }
0x7f: {  	_ =	shalt  }
0x80: {  	_ =	shalt  }
0x81: {  	_ =	shalt  }
0x82: {  	_ =	shalt  }
0x83: {  	_ =	shalt  }
0x84: {  	_ =	shalt  }
0x85: {  	_ =	shalt  }
0x86: {  	_ =	shalt  }
0x87: {  	_ =	shalt  }
.Lfunc_end0:
.L_simem_size_0:
called_computation_lowered:
.L_overlay_start_0:
0x88: {  	s2 =	sld [smem:$0x3FD9]  }
0x89: {  	s3 =	sld [smem:$0x3FFE];
	_ =	sdelay $0x1  }
0x8a: {  	s1 =	srdreg.scid  }
0x8b: {  	s0 =	sand.u32 $0x1, s1  }
0x8c: {  	s17 =	sshll.u32 s0, $0xA;
	s2 =	sadd.s32 s3, s2  }
0x8d: {  	s2 =	sadd.s32 s2, s17  }
0x8e: {  	[smem:$0x3FB7] =	sst s2  }
0x8f: {  	_ = 	snop  }
0x90: {  	s2 =	sld [smem:$0x3FC9]  }
0x91: {  	s18 =	sld [smem:$0x3FD0];
	(tm) =	ssettm $0x1  }
0x92: {  	s4 =	sld [smem:$0x3FFB];
	_ =	sdelay $0x3  }
0x93: {  	_ =	strace s4  }
0x94: {  	s4 =	sld [smem:$0x3FFC];
	_ =	sdelay $0x3  }
0x95: {  	_ =	strace s4  }
0x96: {  	s4 =	sld [smem:$0x3FFD];
	_ =	sdelay $0x3  }
0x97: {  	_ =	strace s4  }
0x98: {  	_ =	strace $0x8FFFFFFF  }
0x99: {  	s19 =	sld [smem:$0x3FDB];
	_ =	sdelay $0x1  }
0x9a: {  	s5 =	simm.s32 $_scs_section_size  }
0x9b: {  	s6 =	simm.s32 $_size__tile_overlayer_lowered;
	s7 =	simm.s32 $_tile_overlayer_lowered  }
0x9c: {  	s22 =	simm.s32 $0x1BFF;
	s21 =	sshll.u32 s7, $0x1;
	s4 =	sadd.s32 s5, s19  }
0x9d: {  	s8 =	simm.s32 $0x0;
	s20 =	sshll.u32 s6, $0x1;
	s6 =	sadd.s32 s21, s4  }
0x9e: {  	[timem:s8], [sflag:s22] =	dma.local [hbm:s6], s20  }
0x9f: {  	_ =	swait.ge [sflag:s22], s20  }
0xa0: {  	s5 =	ssub.s32 $0x0, s20;
	[sflag:s22] =	ssyncset.done $0x0  }
0xa1: {  	[sflag:s22] =	ssyncadd.s32 s5;
	_ =	sdelay $0x1  }
0xa2: {  	s23 =	simm.s32 $0x1B8B  }
0xa3: {  	_ =	swait.ge [sflag:s23], $0x1  }
0xa4: {  	[sflag:s23] =	ssyncset.done $0x0  }
0xa5: {  	s25 =	simm.s32 $0x1B8E;
	s24 =	sld [smem:$0x3FFE];
	[sflag:s23] =	ssyncadd.s32 $0xFFFFFFFF  }
0xa6: {  	s26 =	simm.s32 $execute0_lowered;
	[smem:$0x3FD2] =	sst s25  }
0xa7: {  	s6 =	sshll.u32 s26, $0x1;
	_ =	strace $0x80000046;
	[dreg:$0x1] =	wrdreg $0xFFFFFFFF  }
0xa8: {  	s28 =	simm.s32 $_size_execute0_lowered;
	s4 =	sadd.s32 s4, s6;
	[dreg:$0x0] =	wrdreg $0x0  }
0xa9: {  	s6 =	sshll.u32 s28, $0x1;
	[dreg:$0x2] =	wrdreg s4  }
0xaa: {  	[dreg:$0x3] =	wrdreg s6  }
0xab: {  	[dreg:$0x4] =	wrdreg $0xC0  }
0xac: {  	_ =	task [dreg:s8], $0x5FFFF  }
0xad: {  	[dreg:$0x1] =	wrdreg $0xFFFFFFFF  }
0xae: {  	[dreg:$0x0] =	wrdreg $0x60  }
0xaf: {  	[dreg:$0x2] =	wrdreg s2  }
0xb0: {  	[dreg:$0x3] =	wrdreg s18  }
0xb1: {  	[dreg:$0x4] =	wrdreg s24  }
0xb2: {  	[dreg:$0x5] =	wrdreg $0x9  }
0xb3: {  	_ =	task.clear_ibuf [dreg:s8], $0x6FFFF;
	_ =	strace $0x90000046  }
0xb4: {  	s29 =	simm.s32 $0x9;
	_ =	strace $0x80000048  }
0xb5: {  	_ =	swait.ge [sflag:s29], $0x1  }
0xb6: {  	[sflag:s29] =	ssyncadd.s32 $0xFFFFFFFF  }
0xb7: {  	_ =	strace $0x90000048  }
0xb8: {  	_ =	sfence  }
0xb9: {  	s30 =	sld [smem:$0x0];
	_ =	sdelay $0x2  }
0xba: {  	s31 =	sshll.u32 s1, $0xD;
	s1 =	sshrl.u32 s1, $0x2  }
0xbb: {  	s3 =	sand.u32 $0x4000, s31;
	s1 =	sadd.s32 s1, s30  }
0xbc: {  	s0 =	sor.u32 s3, s0;
	s1 =	sshll.u32 s1, $0x11  }
0xbd: {  	s0 =	sor.u32 s1, s0  }
0xbe: {  	s0 =	sadd.s32 $0x8F2B, s0  }
0xbf: {  	[sflag:s0] =	ssyncadd.remote.s32 $0x1  }
0xc0: {  	_ =	sfence.sel $0xFFFF  }
0xc1: {  	[dreg:$0x0] =	wrdreg $0xFFFFFFFF;
	(pc) =	sbr.abs _section_cstart, $3  }
0xc2: {  	[dreg:$0x1] =	wrdreg $0xFFFFFFFF  }
0xc3: {  	_ =	task.clear_ibuf [dreg:s8], $0x2FFFF;
	_ =	strace $0x9FFFFFFF  }
0xc4: {  	(tm) =	ssettm $0x7FFFFFFF  }
0xc5: {  	_ =	shalt  }
tec
execute0_lowered:
.L_overlay_start_1:
0x0: {  	(tag) =	ssettag $0x1  }
0x1: {  	s1 =	rddreg [dreg:$0x0]  }
0x2: {  	s4 =	rddreg [dreg:$0x1]  }
0x3: {  	s5 =	rddreg [dreg:$0x2];
	s3 =	srdreg.scid  }
0x4: {  	s0 =	rddreg [dreg:$0x3];
	s2 =	stileid.u32;
	s10 =	simm.s32 $0x2  }
0x5: {  	s11 =	simm.s32 $0x80;
	s12 =	simm.s32 $0x880;
	s13 =	simm.s32 $0x1080  }
0x6: {  	s14 =	simm.s32 $0x1880;
	s15 =	simm.s32 $0x2080;
	s16 =	simm.s32 $0x2880  }
0x7: {  	s17 =	simm.s32 $0x3080;
	s18 =	simm.s32 $0x3880;
	s19 =	simm.s32 $0x4080  }
0x8: {  	s20 =	simm.s32 $0x4880;
	s21 =	simm.s32 $0x5080;
	s22 =	simm.s32 $0x5880  }
0x9: {  	s23 =	simm.s32 $0x6080;
	s24 =	simm.s32 $0x6880;
	s25 =	simm.s32 $0x7080  }
0xa: {  	s26 =	simm.s32 $0x7880;
	s28 =	simm.s32 $0x1;
	s6 =	sand.u32 $0x1, s3  }
0xb: {  	s3 =	simm.s32 $0x0;
	s7 =	sshll.u32 s2, $0x6;
	s8 =	sshll.u32 s6, $0x5  }
0xc: {  	[smem:$0x7FF] =	sst s3;
	s6 =	ssub.s32 $0x2, s6;
	s7 =	sor.u32 s8, s7  }
0xd: {  	_ =	strace $0x80000047;
	s9 =	sshrl.u32 s6, $0x1;
	s8 =	sshll.u32 s7, $0x7  }
0xe: {  	v2 =	vlaneseq.u32;
	s9 =	ssub.s32 s6, s9;
	s31 =	sshrl.u32 s7, $0x3;
	s6 =	sadd.s32 $0x200, s1  }
0xf: {  	vm0 =	vmmov $0xffff;
	v1 =	vshrl.u32 v2, $0x3;
	s7 =	sadd.s32 $0x300, s1;
	s8 =	sadd.s32 s8, s5;
	s4 =	sadd.s32 s4, s31  }
0x10: {  	v0 =	vand.u32 $0x7, v2;
	v2 =	vor.u32 $0x8, v2;
	v1 =	vmul.u32 $0x8, v1;
	s5 =	sadd.s32 $0x100, s1;
	s9 =	smax.u32 s9, $0x1;
	s8 =	sadd.s32 $0x2400, s8  }
.LBB2_1:
0x11: {  	[tilespmem:s3], [sflag:$0x2] =	stream.linear.gather [hbm4b:s4+s3], $0x20, $0x38;
	[tilespmem:$0x8080] =	vst v63  }
0x12: {  	_ =	swait.ge [sflag:s10], $0x20  }
0x13: {  	[sflag:s10] =	ssyncset.done $0x0  }
0x14: {  	[sflag:s10] =	ssyncadd.s32 $0xFFFFFFE0  }
0x15: {  	v3 =	vld [tilespmem:$0x0];
	_ =	sdelay $0x4  }
0x16: {  	v4 =	vshll.u32 v3, $0x3  }
0x17: {  	v3 =	vand.u32 $0x7, v3;
	v4 =	vand.u32 $0xFFFFFFC0, v4  }
0x18: {  	v3 =	vor.u32 v3, v4  }
0x19: {  	v4 =	vperm.xlane v3, v0;
	_ =	sdelay $0x1  }
0x1a: {  	v4 =	vadd.s32 v1, v4;
	_ =	sdelay $0x4  }
0x1b: {  	[tilespmem:s11], [sflag:$0x1] =	stream.indirect_vreg.gather [hbm4b:s1+s3], $0x80, v4, vm0, $0xb8;
	[tilespmem:$0x8080] =	vst v63  }
0x1c: {  	v3 =	vperm.xlane v3, v2  }
0x1d: {  	[tilespmem:s12], [sflag:$0x1] =	stream.indirect_vreg.gather [hbm4b:s5+s3], $0x80, v4, vm0, $0xb8;
	[tilespmem:$0x8080] =	vst v63  }
0x1e: {  	v3 =	vadd.s32 v1, v3  }
0x1f: {  	[tilespmem:s13], [sflag:$0x1] =	stream.indirect_vreg.gather [hbm4b:s6+s3], $0x80, v4, vm0, $0xb8;
	[tilespmem:$0x8080] =	vst v63  }
0x20: {  	_ = 	snop  }
0x21: {  	[tilespmem:s14], [sflag:$0x1] =	stream.indirect_vreg.gather [hbm4b:s7+s3], $0x80, v4, vm0, $0xb8;
	[tilespmem:$0x8080] =	vst v63  }
0x22: {  	_ = 	snop  }
0x23: {  	[tilespmem:s15], [sflag:$0x1] =	stream.indirect_vreg.gather [hbm4b:s1+s3], $0x80, v3, vm0, $0xb8;
	[tilespmem:$0x8080] =	vst v63  }
0x24: {  	_ = 	snop  }
0x25: {  	[tilespmem:s16], [sflag:$0x1] =	stream.indirect_vreg.gather [hbm4b:s5+s3], $0x80, v3, vm0, $0xb8;
	[tilespmem:$0x8080] =	vst v63  }
0x26: {  	_ = 	snop  }
0x27: {  	[tilespmem:s17], [sflag:$0x1] =	stream.indirect_vreg.gather [hbm4b:s6+s3], $0x80, v3, vm0, $0xb8;
	[tilespmem:$0x8080] =	vst v63  }
0x28: {  	_ = 	snop  }
0x29: {  	[tilespmem:s18], [sflag:$0x1] =	stream.indirect_vreg.gather [hbm4b:s7+s3], $0x80, v3, vm0, $0xb8;
	[tilespmem:$0x8080] =	vst v63  }
0x2a: {  	v3 =	vld [tilespmem:$0x10];
	_ =	sdelay $0x4  }
0x2b: {  	v63 =	vshll.u32 v3, $0x3  }
0x2c: {  	v3 =	vand.u32 $0x7, v3;
	v4 =	vand.u32 $0xFFFFFFC0, v63  }
0x2d: {  	v3 =	vor.u32 v3, v4  }
0x2e: {  	v4 =	vperm.xlane v3, v0;
	_ =	sdelay $0x1  }
0x2f: {  	v4 =	vadd.s32 v1, v4;
	_ =	sdelay $0x4  }
0x30: {  	[tilespmem:s19], [sflag:$0x1] =	stream.indirect_vreg.gather [hbm4b:s1+s3], $0x80, v4, vm0, $0xb8;
	[tilespmem:$0x8080] =	vst v63  }
0x31: {  	v3 =	vperm.xlane v3, v2  }
0x32: {  	[tilespmem:s20], [sflag:$0x1] =	stream.indirect_vreg.gather [hbm4b:s5+s3], $0x80, v4, vm0, $0xb8;
	[tilespmem:$0x8080] =	vst v63  }
0x33: {  	v3 =	vadd.s32 v1, v3  }
0x34: {  	[tilespmem:s21], [sflag:$0x1] =	stream.indirect_vreg.gather [hbm4b:s6+s3], $0x80, v4, vm0, $0xb8;
	[tilespmem:$0x8080] =	vst v63  }
0x35: {  	_ = 	snop  }
0x36: {  	[tilespmem:s22], [sflag:$0x1] =	stream.indirect_vreg.gather [hbm4b:s7+s3], $0x80, v4, vm0, $0xb8;
	[tilespmem:$0x8080] =	vst v63  }
0x37: {  	_ = 	snop  }
0x38: {  	[tilespmem:s23], [sflag:$0x1] =	stream.indirect_vreg.gather [hbm4b:s1+s3], $0x80, v3, vm0, $0xb8;
	[tilespmem:$0x8080] =	vst v63  }
0x39: {  	_ = 	snop  }
0x3a: {  	[tilespmem:s24], [sflag:$0x1] =	stream.indirect_vreg.gather [hbm4b:s5+s3], $0x80, v3, vm0, $0xb8;
	[tilespmem:$0x8080] =	vst v63  }
0x3b: {  	_ = 	snop  }
0x3c: {  	[tilespmem:s25], [sflag:$0x1] =	stream.indirect_vreg.gather [hbm4b:s6+s3], $0x80, v3, vm0, $0xb8;
	[tilespmem:$0x8080] =	vst v63  }
0x3d: {  	_ = 	snop  }
0x3e: {  	[tilespmem:s26], [sflag:$0x1] =	stream.indirect_vreg.gather [hbm4b:s7+s3], $0x80, v3, vm0, $0xb8;
	[tilespmem:$0x8080] =	vst v63  }
0x3f: {  	_ =	swait.ge [sflag:s28], $0x8000  }
0x40: {  	p0 =	sne.s32 s9, $0x1;
	[sflag:s28] =	ssyncset.done $0x0  }
.Ltmp0:
0x41: {  	[sflag:s28] =	ssyncadd.s32 $0xFFFF8000;
	(pc) =	sbr.rel @p0 .LBB2_1-.Ltmp0, $4  }
0x42: {  	[hbm4b:s8+s3] =	stream.linear.scatter [tilespmem:s11], [sflag:$0x2], $0x8000, $0x38;
	[tilespmem:$0x8080] =	vst v63  }
0x43: {  	_ =	swait.ge [sflag:s10], $0x8000  }
0x44: {  	[sflag:s10] =	ssyncset.done $0x0  }
0x45: {  	s9 =	sadd.s32 $0xFFFFFFFF, s9;
	[sflag:s10] =	ssyncadd.s32 $0xFFFF8000  }
0x46: {  	_ =	sfence.sel $0x180000  }
0x47: {  	[bflag:$0x0] =	sbarrier.arrive $0xFFFF  }
0x48: {  	p0 =	sne.s32 s2, $0x0;
	_ =	strace $0x90000047  }
0x49: {  	s0 =	sadd.s32 @!p0 $0x100000, s0;
	[bflag:$0x2] =	sbarrier.arrive $0xFFFF  }
0x4a: {  	[sflag:s0] =	ssyncadd.tile.s32 @!p0 $0x1;
	_ =	shalt  }
.Lfunc_end2:
_tile_overlayer_lowered:
.L_overlay_start_2:
0x4b: {  	(tag) =	ssettag $0x2  }
0x4c: {  	s0 =	rddreg [dreg:$0x0];
	s2 =	stileid.u32  }
0x4d: {  	s1 =	rddreg [dreg:$0x1];
	p0 =	sne.s32 s2, $0x0  }
0x4e: {  	s3 =	rddreg [dreg:$0x2];
	[bflag:$0x3] =	sbarrier.arrive $0xFFFF;
	s2 =	simm.s32 @!p0 $0x1C02  }
0x4f: {  	[timem:s3], [sflag:s2] =	dma.local @!p0 [hbm:s0], s1  }
0x50: {  	s0 =	simm.s32 @!p0 $0x2  }
0x51: {  	_ =	swait.ge @!p0 [sflag:s0], s1  }
0x52: {  	s1 =	ssub.s32 @!p0 $0x0, s1;
	[sflag:s0] =	ssyncset.done @!p0 $0x0  }
0x53: {  	[sflag:s0] =	ssyncadd.s32 @!p0 s1  }
0x54: {  	[bflag:$0x3] =	sbarrier.arrive $0xFFFF  }
0x55: {  	_ =	shalt  }

</sc_bundles>
